<compile_context>
chip_gen: v7x
topology: tpu7x:2x2x1
jax: 0.10.2.dev20260603
libtpu: 0.0.44.dev20260713+nightly
codegen_flags: <defaults>
</compile_context>

<pallas_src>
import functools

import jax
import jax.numpy as jnp
from jax import lax
from jax.experimental import pallas as pl
from jax.experimental.pallas import tpu as pltpu
from jax.experimental.pallas import tpu_sc as plsc

_B = 1024
_CTX = 20
_EM = 16
_V = 100000
_TN = 2048
_L = 16


def _mean_pool_sc(idx_t, em_t):
    nhalf = 2
    bpw = _B // nhalf
    ngroup = bpw // _L

    mesh = plsc.VectorSubcoreMesh(core_axis_name="c", subcore_axis_name="s")

    @functools.partial(
        pl.kernel,
        mesh=mesh,
        compiler_params=pltpu.CompilerParams(
            needs_layout_passes=False, use_tc_tiling_on_sc=True),
        out_type=jax.ShapeDtypeStruct(((_EM + 1) * _B,), jnp.float32),
        scratch_types=[
            pltpu.VMEM((1, _V), jnp.float32),
            pltpu.VMEM((_CTX, bpw), jnp.int32),
            pltpu.VMEM((bpw,), jnp.float32),
            pltpu.SemaphoreType.DMA,
        ],
    )
    def k(idx_hbm, table_hbm, out_hbm, row_v, idx_v, ht_v, sem):
        f = lax.axis_index("s")
        half = lax.axis_index("c")
        b0 = half * bpw
        row_cp = pltpu.async_copy(
            table_hbm.at[pl.ds(f, 1), pl.ds(0, _V)], row_v, sem)
        idx_cp = pltpu.async_copy(
            idx_hbm.at[pl.ds(0, _CTX), pl.ds(b0, bpw)], idx_v, sem)
        row_cp.wait()
        idx_cp.wait()
        zeros = jnp.zeros((_L,), jnp.int32)
        lanes = lax.iota(jnp.int32, _L)

        @plsc.parallel_loop(0, ngroup, 1, unroll=4)
        def body(g):
            cols = lanes + g * _L
            acc = jnp.zeros((_L,), jnp.float32)
            for j in range(_CTX):
                eidx = plsc.load_gather(
                    idx_v, [jnp.full((_L,), j, jnp.int32), cols])
                acc = acc + plsc.load_gather(row_v, [zeros, eidx])
            ht_v[pl.ds(g * _L, _L)] = acc * (1.0 / _CTX)
        pltpu.sync_copy(ht_v, out_hbm.at[pl.ds(f * _B + b0, bpw)])

        @pl.when(f == 0)
        def _write_ones_row():
            ones = jnp.ones((_L,), jnp.float32)

            @plsc.parallel_loop(0, ngroup, 1, unroll=4)
            def fill(g):
                ht_v[pl.ds(g * _L, _L)] = ones

            pltpu.sync_copy(
                ht_v, out_hbm.at[pl.ds(_EM * _B + b0, bpw)])

    return k(idx_t, em_t).reshape(_EM + 1, _B)


def _proj_body(w_ref, h_ref, o_ref):
    o_ref[...] = lax.dot_general(
        w_ref[...],
        h_ref[...],
        (((0,), (0,)), ((), ())),
        preferred_element_type=jnp.float32,
    )


def _proj_tc(w_aug, h_aug):
    ka = _EM + 1
    return pl.pallas_call(
        _proj_body,
        grid=(pl.cdiv(_V, _TN),),
        in_specs=[
            pl.BlockSpec((ka, _TN), lambda i: (0, i)),
            pl.BlockSpec((ka, _B), lambda i: (0, 0)),
        ],
        out_specs=pl.BlockSpec((_TN, _B), lambda i: (i, 0)),
        out_shape=jax.ShapeDtypeStruct((_V, _B), jnp.float32),
    )(w_aug, h_aug)


def kernel(in_tensor, em_table, W, b):
    h_aug = _mean_pool_sc(in_tensor.astype(jnp.int32).T, em_table.T)
    w_aug = jnp.concatenate([W.T, b.reshape(1, _V)], axis=0)
    o_t = _proj_tc(w_aug, h_aug)
    return o_t.T

# --- scband reference (transcript-rebuilt; emitter-appended) ---
"""Pipeline reference for scband-cbow-50465865728542 (READ-ONLY COPY).

The authoritative reference and input builder live on the scoring server;
editing this copy changes nothing except your own understanding.
"""

import jax, jax.numpy as jnp
import numpy as np

V_SIZE = 100000
EM_SIZE = 16
BATCH = 1024
CTX = 20

def setup_inputs(seed: int = 0) -> dict:
    key = jax.random.key(seed)
    k_idx, k_em, k_w, k_b = jax.random.split(key, 4)
    in_tensor = jax.random.randint(k_idx, (BATCH, CTX), 0, V_SIZE, dtype=jnp.int64 if jax.config.jax_enable_x64 else jnp.int32)
    # embedding table: init.normal_(mean=0, std=1), padding_idx=0 row also overwritten by normal_ in the original code
    em_table = jax.random.normal(k_em, (V_SIZE, EM_SIZE), dtype=jnp.float32)
    # linear weight shape (out_features=v_size, in_features=em_size)
    # NOTE: original init_param xavier-inits then zeros the weight; we use small random
    # values so the computation graph is non-degenerate, math is identical.
    W = jax.random.normal(k_w, (V_SIZE, EM_SIZE), dtype=jnp.float32) * 0.02
    b = jnp.zeros((V_SIZE,), dtype=jnp.float32)
    return {"in_tensor": in_tensor, "em_table": em_table, "W": W, "b": b}

def reference(in_tensor, em_table, W, b):
    # em_tensor = self.em_layer(in_tensor)  -> gather rows
    em_tensor = jnp.take(em_table, in_tensor, axis=0)          # [B, CTX, EM]
    # h_tensor = torch.mean(em_tensor, dim=1)
    h_tensor = jnp.mean(em_tensor, axis=1)                     # [B, EM]
    # o_tensor = self.o_layer(h_tensor)  -> h @ W.T + b
    o_tensor = jnp.dot(h_tensor, W.T) + b                      # [B, V]
    return o_tensor

if __name__ == "__main__":
    import jax
    _d = setup_inputs()
    print(jax.jit(kernel)(*tuple(_d.values())))

</pallas_src>

<mosaic_0001>
#map = affine_map<(d0, d1) -> (0, 0)>
#map1 = affine_map<(d0, d1) -> (0)>
module attributes {stable_mosaic.version = 14 : i64} {
  func.func @k(%arg0: i32, %arg1: i32, %arg2: memref<20x1024xi32, #tpu.memory_space<hbm>>, %arg3: memref<16x100000xf32, #tpu.memory_space<hbm>>, %arg4: memref<17408xf32, #tpu.memory_space<hbm>>, %arg5: memref<1x100000xf32, #tpu.memory_space<vmem>>, %arg6: memref<20x512xi32, #tpu.memory_space<vmem>>, %arg7: memref<512xf32, #tpu.memory_space<vmem>>, %arg8: memref<!tpu.dma_semaphore, #tpu.memory_space<semaphore_mem>>) attributes {dimension_semantics = [#tpu.dimension_semantics<core_parallel>, #tpu.dimension_semantics<subcore_parallel>], iteration_bounds = array<i64: 2, 16>, scalar_prefetch = 0 : i64, scratch_operands = 4 : i64, tpu.core_type = #tpu.core_type<sc_vector_subcore>, window_params = [{transform_indices = #map}, {transform_indices = #map}, {transform_indices = #map1}]} {
    %mul3A = arith.constant 512 : i32
    %mul3A_0 = arith.muli %arg0, %mul3A : i32
    %dma_start3A = arith.constant 0 : i32
    %dma_start3A_1 = tpu.memref_slice %arg3[%arg1, %dma_start3A] : memref<16x100000xf32, #tpu.memory_space<hbm>> -> memref<1x100000xf32, #tpu.memory_space<hbm>>
    %dma_start3A_2 = arith.constant 0 : i32
    %dma_start3A_3 = tpu.memref_slice %arg3[%arg1, %dma_start3A_2] : memref<16x100000xf32, #tpu.memory_space<hbm>> -> memref<1x100000xf32, #tpu.memory_space<hbm>>
    tpu.enqueue_dma source(%dma_start3A_3 : memref<1x100000xf32, #tpu.memory_space<hbm>>) target(%arg5 : memref<1x100000xf32, #tpu.memory_space<vmem>>) target_semaphore(%arg8 : memref<!tpu.dma_semaphore, #tpu.memory_space<semaphore_mem>>)
    %dma_start3A_4 = arith.constant 0 : i32
    %dma_start3A_5 = tpu.memref_slice %arg2[%dma_start3A_4, %mul3A_0] : memref<20x1024xi32, #tpu.memory_space<hbm>> -> memref<20x512xi32, #tpu.memory_space<hbm>>
    %dma_start3A_6 = arith.constant 0 : i32
    %dma_start3A_7 = tpu.memref_slice %arg2[%dma_start3A_6, %mul3A_0] : memref<20x1024xi32, #tpu.memory_space<hbm>> -> memref<20x512xi32, #tpu.memory_space<hbm>>
    tpu.enqueue_dma source(%dma_start3A_7 : memref<20x512xi32, #tpu.memory_space<hbm>>) target(%arg6 : memref<20x512xi32, #tpu.memory_space<vmem>>) target_semaphore(%arg8 : memref<!tpu.dma_semaphore, #tpu.memory_space<semaphore_mem>>)
    %dma_wait3A = arith.constant 0 : i32
    %dma_wait3A_8 = tpu.memref_slice %arg3[%arg1, %dma_wait3A] : memref<16x100000xf32, #tpu.memory_space<hbm>> -> memref<1x100000xf32, #tpu.memory_space<hbm>>
    %dma_wait3A_9 = arith.constant 0 : i32
    %dma_wait3A_10 = tpu.memref_slice %arg3[%arg1, %dma_wait3A_9] : memref<16x100000xf32, #tpu.memory_space<hbm>> -> memref<1x100000xf32, #tpu.memory_space<hbm>>
    tpu.wait_dma2 semaphore(%arg8 : memref<!tpu.dma_semaphore, #tpu.memory_space<semaphore_mem>>) src(%dma_wait3A_10 : memref<1x100000xf32, #tpu.memory_space<hbm>>) dst(%arg5 : memref<1x100000xf32, #tpu.memory_space<vmem>>)
    %dma_wait3A_11 = arith.constant 0 : i32
    %dma_wait3A_12 = tpu.memref_slice %arg2[%dma_wait3A_11, %mul3A_0] : memref<20x1024xi32, #tpu.memory_space<hbm>> -> memref<20x512xi32, #tpu.memory_space<hbm>>
    %dma_wait3A_13 = arith.constant 0 : i32
    %dma_wait3A_14 = tpu.memref_slice %arg2[%dma_wait3A_13, %mul3A_0] : memref<20x1024xi32, #tpu.memory_space<hbm>> -> memref<20x512xi32, #tpu.memory_space<hbm>>
    tpu.wait_dma2 semaphore(%arg8 : memref<!tpu.dma_semaphore, #tpu.memory_space<semaphore_mem>>) src(%dma_wait3A_14 : memref<20x512xi32, #tpu.memory_space<hbm>>) dst(%arg6 : memref<20x512xi32, #tpu.memory_space<vmem>>)
    %broadcast_in_dim3A = arith.constant 0 : i32
    %broadcast_in_dim3A_15 = vector.broadcast %broadcast_in_dim3A : i32 to vector<16xi32>
    %iota3A = tpu.iota {dimensions = array<i32: 0>} : vector<16xi32>
    %parallel_loop3A = arith.constant 0 : i32
    %parallel_loop3A_16 = arith.constant 32 : i32
    %parallel_loop3A_17 = arith.constant 1 : i32
    scf.for %parallel_loop3A_22 = %parallel_loop3A to %parallel_loop3A_16 step %parallel_loop3A_17  : i32 {
      %parallel_loop3A_23 = arith.constant 16 : i32
      %parallel_loop3A_24 = arith.muli %parallel_loop3A_22, %parallel_loop3A_23 : i32
      %parallel_loop3A_25 = vector.broadcast %parallel_loop3A_24 : i32 to vector<16xi32>
      %parallel_loop3A_26 = arith.addi %iota3A, %parallel_loop3A_25 : vector<16xi32>
      %parallel_loop3A_27 = arith.constant 0.000000e+00 : f32
      %parallel_loop3A_28 = vector.broadcast %parallel_loop3A_27 : f32 to vector<16xf32>
      %parallel_loop3A_29 = arith.constant 0 : i32
      %parallel_loop3A_30 = vector.broadcast %parallel_loop3A_29 : i32 to vector<16xi32>
      %parallel_loop3A_31 = tpu.vector_load_idx %arg6[%parallel_loop3A_30, %parallel_loop3A_26] : memref<20x512xi32, #tpu.memory_space<vmem>>[vector<16xi32>, vector<16xi32>], vector<16xi32>,
      %parallel_loop3A_32 = tpu.vector_load_idx %arg5[%broadcast_in_dim3A_15, %parallel_loop3A_31] : memref<1x100000xf32, #tpu.memory_space<vmem>>[vector<16xi32>, vector<16xi32>], vector<16xf32>,
      %parallel_loop3A_33 = arith.addf %parallel_loop3A_28, %parallel_loop3A_32 : vector<16xf32>
      %parallel_loop3A_34 = arith.constant 1 : i32
      %parallel_loop3A_35 = vector.broadcast %parallel_loop3A_34 : i32 to vector<16xi32>
      %parallel_loop3A_36 = tpu.vector_load_idx %arg6[%parallel_loop3A_35, %parallel_loop3A_26] : memref<20x512xi32, #tpu.memory_space<vmem>>[vector<16xi32>, vector<16xi32>], vector<16xi32>,
      %parallel_loop3A_37 = tpu.vector_load_idx %arg5[%broadcast_in_dim3A_15, %parallel_loop3A_36] : memref<1x100000xf32, #tpu.memory_space<vmem>>[vector<16xi32>, vector<16xi32>], vector<16xf32>,
      %parallel_loop3A_38 = arith.addf %parallel_loop3A_33, %parallel_loop3A_37 : vector<16xf32>
      %parallel_loop3A_39 = arith.constant 2 : i32
      %parallel_loop3A_40 = vector.broadcast %parallel_loop3A_39 : i32 to vector<16xi32>
      %parallel_loop3A_41 = tpu.vector_load_idx %arg6[%parallel_loop3A_40, %parallel_loop3A_26] : memref<20x512xi32, #tpu.memory_space<vmem>>[vector<16xi32>, vector<16xi32>], vector<16xi32>,
      %parallel_loop3A_42 = tpu.vector_load_idx %arg5[%broadcast_in_dim3A_15, %parallel_loop3A_41] : memref<1x100000xf32, #tpu.memory_space<vmem>>[vector<16xi32>, vector<16xi32>], vector<16xf32>,
      %parallel_loop3A_43 = arith.addf %parallel_loop3A_38, %parallel_loop3A_42 : vector<16xf32>
      %parallel_loop3A_44 = arith.constant 3 : i32
      %parallel_loop3A_45 = vector.broadcast %parallel_loop3A_44 : i32 to vector<16xi32>
      %parallel_loop3A_46 = tpu.vector_load_idx %arg6[%parallel_loop3A_45, %parallel_loop3A_26] : memref<20x512xi32, #tpu.memory_space<vmem>>[vector<16xi32>, vector<16xi32>], vector<16xi32>,
      %parallel_loop3A_47 = tpu.vector_load_idx %arg5[%broadcast_in_dim3A_15, %parallel_loop3A_46] : memref<1x100000xf32, #tpu.memory_space<vmem>>[vector<16xi32>, vector<16xi32>], vector<16xf32>,
      %parallel_loop3A_48 = arith.addf %parallel_loop3A_43, %parallel_loop3A_47 : vector<16xf32>
      %parallel_loop3A_49 = arith.constant 4 : i32
      %parallel_loop3A_50 = vector.broadcast %parallel_loop3A_49 : i32 to vector<16xi32>
      %parallel_loop3A_51 = tpu.vector_load_idx %arg6[%parallel_loop3A_50, %parallel_loop3A_26] : memref<20x512xi32, #tpu.memory_space<vmem>>[vector<16xi32>, vector<16xi32>], vector<16xi32>,
      %parallel_loop3A_52 = tpu.vector_load_idx %arg5[%broadcast_in_dim3A_15, %parallel_loop3A_51] : memref<1x100000xf32, #tpu.memory_space<vmem>>[vector<16xi32>, vector<16xi32>], vector<16xf32>,
      %parallel_loop3A_53 = arith.addf %parallel_loop3A_48, %parallel_loop3A_52 : vector<16xf32>
      %parallel_loop3A_54 = arith.constant 5 : i32
      %parallel_loop3A_55 = vector.broadcast %parallel_loop3A_54 : i32 to vector<16xi32>
      %parallel_loop3A_56 = tpu.vector_load_idx %arg6[%parallel_loop3A_55, %parallel_loop3A_26] : memref<20x512xi32, #tpu.memory_space<vmem>>[vector<16xi32>, vector<16xi32>], vector<16xi32>,
      %parallel_loop3A_57 = tpu.vector_load_idx %arg5[%broadcast_in_dim3A_15, %parallel_loop3A_56] : memref<1x100000xf32, #tpu.memory_space<vmem>>[vector<16xi32>, vector<16xi32>], vector<16xf32>,
      %parallel_loop3A_58 = arith.addf %parallel_loop3A_53, %parallel_loop3A_57 : vector<16xf32>
      %parallel_loop3A_59 = arith.constant 6 : i32
      %parallel_loop3A_60 = vector.broadcast %parallel_loop3A_59 : i32 to vector<16xi32>
      %parallel_loop3A_61 = tpu.vector_load_idx %arg6[%parallel_loop3A_60, %parallel_loop3A_26] : memref<20x512xi32, #tpu.memory_space<vmem>>[vector<16xi32>, vector<16xi32>], vector<16xi32>,
      %parallel_loop3A_62 = tpu.vector_load_idx %arg5[%broadcast_in_dim3A_15, %parallel_loop3A_61] : memref<1x100000xf32, #tpu.memory_space<vmem>>[vector<16xi32>, vector<16xi32>], vector<16xf32>,
      %parallel_loop3A_63 = arith.addf %parallel_loop3A_58, %parallel_loop3A_62 : vector<16xf32>
      %parallel_loop3A_64 = arith.constant 7 : i32
      %parallel_loop3A_65 = vector.broadcast %parallel_loop3A_64 : i32 to vector<16xi32>
      %parallel_loop3A_66 = tpu.vector_load_idx %arg6[%parallel_loop3A_65, %parallel_loop3A_26] : memref<20x512xi32, #tpu.memory_space<vmem>>[vector<16xi32>, vector<16xi32>], vector<16xi32>,
      %parallel_loop3A_67 = tpu.vector_load_idx %arg5[%broadcast_in_dim3A_15, %parallel_loop3A_66] : memref<1x100000xf32, #tpu.memory_space<vmem>>[vector<16xi32>, vector<16xi32>], vector<16xf32>,
      %parallel_loop3A_68 = arith.addf %parallel_loop3A_63, %parallel_loop3A_67 : vector<16xf32>
      %parallel_loop3A_69 = arith.constant 8 : i32
      %parallel_loop3A_70 = vector.broadcast %parallel_loop3A_69 : i32 to vector<16xi32>
      %parallel_loop3A_71 = tpu.vector_load_idx %arg6[%parallel_loop3A_70, %parallel_loop3A_26] : memref<20x512xi32, #tpu.memory_space<vmem>>[vector<16xi32>, vector<16xi32>], vector<16xi32>,
      %parallel_loop3A_72 = tpu.vector_load_idx %arg5[%broadcast_in_dim3A_15, %parallel_loop3A_71] : memref<1x100000xf32, #tpu.memory_space<vmem>>[vector<16xi32>, vector<16xi32>], vector<16xf32>,
      %parallel_loop3A_73 = arith.addf %parallel_loop3A_68, %parallel_loop3A_72 : vector<16xf32>
      %parallel_loop3A_74 = arith.constant 9 : i32
      %parallel_loop3A_75 = vector.broadcast %parallel_loop3A_74 : i32 to vector<16xi32>
      %parallel_loop3A_76 = tpu.vector_load_idx %arg6[%parallel_loop3A_75, %parallel_loop3A_26] : memref<20x512xi32, #tpu.memory_space<vmem>>[vector<16xi32>, vector<16xi32>], vector<16xi32>,
      %parallel_loop3A_77 = tpu.vector_load_idx %arg5[%broadcast_in_dim3A_15, %parallel_loop3A_76] : memref<1x100000xf32, #tpu.memory_space<vmem>>[vector<16xi32>, vector<16xi32>], vector<16xf32>,
      %parallel_loop3A_78 = arith.addf %parallel_loop3A_73, %parallel_loop3A_77 : vector<16xf32>
      %parallel_loop3A_79 = arith.constant 10 : i32
      %parallel_loop3A_80 = vector.broadcast %parallel_loop3A_79 : i32 to vector<16xi32>
      %parallel_loop3A_81 = tpu.vector_load_idx %arg6[%parallel_loop3A_80, %parallel_loop3A_26] : memref<20x512xi32, #tpu.memory_space<vmem>>[vector<16xi32>, vector<16xi32>], vector<16xi32>,
      %parallel_loop3A_82 = tpu.vector_load_idx %arg5[%broadcast_in_dim3A_15, %parallel_loop3A_81] : memref<1x100000xf32, #tpu.memory_space<vmem>>[vector<16xi32>, vector<16xi32>], vector<16xf32>,
      %parallel_loop3A_83 = arith.addf %parallel_loop3A_78, %parallel_loop3A_82 : vector<16xf32>
      %parallel_loop3A_84 = arith.constant 11 : i32
      %parallel_loop3A_85 = vector.broadcast %parallel_loop3A_84 : i32 to vector<16xi32>
      %parallel_loop3A_86 = tpu.vector_load_idx %arg6[%parallel_loop3A_85, %parallel_loop3A_26] : memref<20x512xi32, #tpu.memory_space<vmem>>[vector<16xi32>, vector<16xi32>], vector<16xi32>,
      %parallel_loop3A_87 = tpu.vector_load_idx %arg5[%broadcast_in_dim3A_15, %parallel_loop3A_86] : memref<1x100000xf32, #tpu.memory_space<vmem>>[vector<16xi32>, vector<16xi32>], vector<16xf32>,
      %parallel_loop3A_88 = arith.addf %parallel_loop3A_83, %parallel_loop3A_87 : vector<16xf32>
      %parallel_loop3A_89 = arith.constant 12 : i32
      %parallel_loop3A_90 = vector.broadcast %parallel_loop3A_89 : i32 to vector<16xi32>
      %parallel_loop3A_91 = tpu.vector_load_idx %arg6[%parallel_loop3A_90, %parallel_loop3A_26] : memref<20x512xi32, #tpu.memory_space<vmem>>[vector<16xi32>, vector<16xi32>], vector<16xi32>,
      %parallel_loop3A_92 = tpu.vector_load_idx %arg5[%broadcast_in_dim3A_15, %parallel_loop3A_91] : memref<1x100000xf32, #tpu.memory_space<vmem>>[vector<16xi32>, vector<16xi32>], vector<16xf32>,
      %parallel_loop3A_93 = arith.addf %parallel_loop3A_88, %parallel_loop3A_92 : vector<16xf32>
      %parallel_loop3A_94 = arith.constant 13 : i32
      %parallel_loop3A_95 = vector.broadcast %parallel_loop3A_94 : i32 to vector<16xi32>
      %parallel_loop3A_96 = tpu.vector_load_idx %arg6[%parallel_loop3A_95, %parallel_loop3A_26] : memref<20x512xi32, #tpu.memory_space<vmem>>[vector<16xi32>, vector<16xi32>], vector<16xi32>,
      %parallel_loop3A_97 = tpu.vector_load_idx %arg5[%broadcast_in_dim3A_15, %parallel_loop3A_96] : memref<1x100000xf32, #tpu.memory_space<vmem>>[vector<16xi32>, vector<16xi32>], vector<16xf32>,
      %parallel_loop3A_98 = arith.addf %parallel_loop3A_93, %parallel_loop3A_97 : vector<16xf32>
      %parallel_loop3A_99 = arith.constant 14 : i32
      %parallel_loop3A_100 = vector.broadcast %parallel_loop3A_99 : i32 to vector<16xi32>
      %parallel_loop3A_101 = tpu.vector_load_idx %arg6[%parallel_loop3A_100, %parallel_loop3A_26] : memref<20x512xi32, #tpu.memory_space<vmem>>[vector<16xi32>, vector<16xi32>], vector<16xi32>,
      %parallel_loop3A_102 = tpu.vector_load_idx %arg5[%broadcast_in_dim3A_15, %parallel_loop3A_101] : memref<1x100000xf32, #tpu.memory_space<vmem>>[vector<16xi32>, vector<16xi32>], vector<16xf32>,
      %parallel_loop3A_103 = arith.addf %parallel_loop3A_98, %parallel_loop3A_102 : vector<16xf32>
      %parallel_loop3A_104 = arith.constant 15 : i32
      %parallel_loop3A_105 = vector.broadcast %parallel_loop3A_104 : i32 to vector<16xi32>
      %parallel_loop3A_106 = tpu.vector_load_idx %arg6[%parallel_loop3A_105, %parallel_loop3A_26] : memref<20x512xi32, #tpu.memory_space<vmem>>[vector<16xi32>, vector<16xi32>], vector<16xi32>,
      %parallel_loop3A_107 = tpu.vector_load_idx %arg5[%broadcast_in_dim3A_15, %parallel_loop3A_106] : memref<1x100000xf32, #tpu.memory_space<vmem>>[vector<16xi32>, vector<16xi32>], vector<16xf32>,
      %parallel_loop3A_108 = arith.addf %parallel_loop3A_103, %parallel_loop3A_107 : vector<16xf32>
      %parallel_loop3A_109 = arith.constant 16 : i32
      %parallel_loop3A_110 = vector.broadcast %parallel_loop3A_109 : i32 to vector<16xi32>
      %parallel_loop3A_111 = tpu.vector_load_idx %arg6[%parallel_loop3A_110, %parallel_loop3A_26] : memref<20x512xi32, #tpu.memory_space<vmem>>[vector<16xi32>, vector<16xi32>], vector<16xi32>,
      %parallel_loop3A_112 = tpu.vector_load_idx %arg5[%broadcast_in_dim3A_15, %parallel_loop3A_111] : memref<1x100000xf32, #tpu.memory_space<vmem>>[vector<16xi32>, vector<16xi32>], vector<16xf32>,
      %parallel_loop3A_113 = arith.addf %parallel_loop3A_108, %parallel_loop3A_112 : vector<16xf32>
      %parallel_loop3A_114 = arith.constant 17 : i32
      %parallel_loop3A_115 = vector.broadcast %parallel_loop3A_114 : i32 to vector<16xi32>
      %parallel_loop3A_116 = tpu.vector_load_idx %arg6[%parallel_loop3A_115, %parallel_loop3A_26] : memref<20x512xi32, #tpu.memory_space<vmem>>[vector<16xi32>, vector<16xi32>], vector<16xi32>,
      %parallel_loop3A_117 = tpu.vector_load_idx %arg5[%broadcast_in_dim3A_15, %parallel_loop3A_116] : memref<1x100000xf32, #tpu.memory_space<vmem>>[vector<16xi32>, vector<16xi32>], vector<16xf32>,
      %parallel_loop3A_118 = arith.addf %parallel_loop3A_113, %parallel_loop3A_117 : vector<16xf32>
      %parallel_loop3A_119 = arith.constant 18 : i32
      %parallel_loop3A_120 = vector.broadcast %parallel_loop3A_119 : i32 to vector<16xi32>
      %parallel_loop3A_121 = tpu.vector_load_idx %arg6[%parallel_loop3A_120, %parallel_loop3A_26] : memref<20x512xi32, #tpu.memory_space<vmem>>[vector<16xi32>, vector<16xi32>], vector<16xi32>,
      %parallel_loop3A_122 = tpu.vector_load_idx %arg5[%broadcast_in_dim3A_15, %parallel_loop3A_121] : memref<1x100000xf32, #tpu.memory_space<vmem>>[vector<16xi32>, vector<16xi32>], vector<16xf32>,
      %parallel_loop3A_123 = arith.addf %parallel_loop3A_118, %parallel_loop3A_122 : vector<16xf32>
      %parallel_loop3A_124 = arith.constant 19 : i32
      %parallel_loop3A_125 = vector.broadcast %parallel_loop3A_124 : i32 to vector<16xi32>
      %parallel_loop3A_126 = tpu.vector_load_idx %arg6[%parallel_loop3A_125, %parallel_loop3A_26] : memref<20x512xi32, #tpu.memory_space<vmem>>[vector<16xi32>, vector<16xi32>], vector<16xi32>,
      %parallel_loop3A_127 = tpu.vector_load_idx %arg5[%broadcast_in_dim3A_15, %parallel_loop3A_126] : memref<1x100000xf32, #tpu.memory_space<vmem>>[vector<16xi32>, vector<16xi32>], vector<16xf32>,
      %parallel_loop3A_128 = arith.addf %parallel_loop3A_123, %parallel_loop3A_127 : vector<16xf32>
      %parallel_loop3A_129 = arith.constant 5.000000e-02 : f32
      %parallel_loop3A_130 = vector.broadcast %parallel_loop3A_129 : f32 to vector<16xf32>
      %parallel_loop3A_131 = arith.mulf %parallel_loop3A_128, %parallel_loop3A_130 : vector<16xf32>
      %parallel_loop3A_132 = arith.constant 16 : i32
      %parallel_loop3A_133 = arith.muli %parallel_loop3A_22, %parallel_loop3A_132 : i32
      %parallel_loop3A_134 = arith.index_cast %parallel_loop3A_133 : i32 to index
      %parallel_loop3A_135 = tpu.vector_load %arg7[%parallel_loop3A_134] {strides = array<i32>} : memref<512xf32, #tpu.memory_space<vmem>>, vector<16xf32>,
      tpu.vector_store %arg7[%parallel_loop3A_134], %parallel_loop3A_131 {strides = array<i32>} : memref<512xf32, #tpu.memory_space<vmem>>, vector<16xf32>,
    } {sc.loop_unroll_factor = 4 : i64, sc.parallel_access}
    %mul3A_18 = arith.constant 1024 : i32
    %mul3A_19 = arith.muli %arg1, %mul3A_18 : i32
    %add3A = arith.addi %mul3A_19, %mul3A_0 : i32
    "tpu.region"() ({
      %run_scoped3A = tpu.sem_alloc : memref<!tpu.dma_semaphore, #tpu.memory_space<semaphore_mem>>
      %dma_start3A_22 = tpu.memref_slice %arg4[%add3A] : memref<17408xf32, #tpu.memory_space<hbm>> -> memref<512xf32, #tpu.memory_space<hbm>>
      %dma_start3A_23 = tpu.memref_slice %arg4[%add3A] : memref<17408xf32, #tpu.memory_space<hbm>> -> memref<512xf32, #tpu.memory_space<hbm>>
      tpu.enqueue_dma source(%arg7 : memref<512xf32, #tpu.memory_space<vmem>>) target(%dma_start3A_23 : memref<512xf32, #tpu.memory_space<hbm>>) target_semaphore(%run_scoped3A : memref<!tpu.dma_semaphore, #tpu.memory_space<semaphore_mem>>)
      %dma_wait3A_24 = tpu.memref_slice %arg4[%add3A] : memref<17408xf32, #tpu.memory_space<hbm>> -> memref<512xf32, #tpu.memory_space<hbm>>
      %dma_wait3A_25 = tpu.memref_slice %arg4[%add3A] : memref<17408xf32, #tpu.memory_space<hbm>> -> memref<512xf32, #tpu.memory_space<hbm>>
      tpu.wait_dma2 semaphore(%run_scoped3A : memref<!tpu.dma_semaphore, #tpu.memory_space<semaphore_mem>>) src(%arg7 : memref<512xf32, #tpu.memory_space<vmem>>) dst(%dma_wait3A_25 : memref<512xf32, #tpu.memory_space<hbm>>)
      tpu.yield
    }) : () -> ()
    %eq3A = arith.constant 0 : i32
    %eq3A_20 = arith.cmpi eq, %arg1, %eq3A : i32
    %convert_element_type3A = arith.extui %eq3A_20 : i1 to i32
    %cond3A = arith.constant 0 : i32
    %cond3A_21 = arith.cmpi ne, %convert_element_type3A, %cond3A : i32
    scf.if %cond3A_21 {
      %broadcast_in_dim3A_22 = arith.constant 1.000000e+00 : f32
      %broadcast_in_dim3A_23 = vector.broadcast %broadcast_in_dim3A_22 : f32 to vector<16xf32>
      %parallel_loop3A_24 = arith.constant 0 : i32
      %parallel_loop3A_25 = arith.constant 32 : i32
      %parallel_loop3A_26 = arith.constant 1 : i32
      scf.for %parallel_loop3A_29 = %parallel_loop3A_24 to %parallel_loop3A_25 step %parallel_loop3A_26  : i32 {
        %parallel_loop3A_30 = arith.constant 16 : i32
        %parallel_loop3A_31 = arith.muli %parallel_loop3A_29, %parallel_loop3A_30 : i32
        %parallel_loop3A_32 = arith.index_cast %parallel_loop3A_31 : i32 to index
        %parallel_loop3A_33 = tpu.vector_load %arg7[%parallel_loop3A_32] {strides = array<i32>} : memref<512xf32, #tpu.memory_space<vmem>>, vector<16xf32>,
        tpu.vector_store %arg7[%parallel_loop3A_32], %broadcast_in_dim3A_23 {strides = array<i32>} : memref<512xf32, #tpu.memory_space<vmem>>, vector<16xf32>,
      } {sc.loop_unroll_factor = 4 : i64, sc.parallel_access}
      %add3A_27 = arith.constant 16384 : i32
      %add3A_28 = arith.addi %add3A_27, %mul3A_0 : i32
      "tpu.region"() ({
        %run_scoped3A = tpu.sem_alloc : memref<!tpu.dma_semaphore, #tpu.memory_space<semaphore_mem>>
        %dma_start3A_29 = tpu.memref_slice %arg4[%add3A_28] : memref<17408xf32, #tpu.memory_space<hbm>> -> memref<512xf32, #tpu.memory_space<hbm>>
        %dma_start3A_30 = tpu.memref_slice %arg4[%add3A_28] : memref<17408xf32, #tpu.memory_space<hbm>> -> memref<512xf32, #tpu.memory_space<hbm>>
        tpu.enqueue_dma source(%arg7 : memref<512xf32, #tpu.memory_space<vmem>>) target(%dma_start3A_30 : memref<512xf32, #tpu.memory_space<hbm>>) target_semaphore(%run_scoped3A : memref<!tpu.dma_semaphore, #tpu.memory_space<semaphore_mem>>)
        %dma_wait3A_31 = tpu.memref_slice %arg4[%add3A_28] : memref<17408xf32, #tpu.memory_space<hbm>> -> memref<512xf32, #tpu.memory_space<hbm>>
        %dma_wait3A_32 = tpu.memref_slice %arg4[%add3A_28] : memref<17408xf32, #tpu.memory_space<hbm>> -> memref<512xf32, #tpu.memory_space<hbm>>
        tpu.wait_dma2 semaphore(%run_scoped3A : memref<!tpu.dma_semaphore, #tpu.memory_space<semaphore_mem>>) src(%arg7 : memref<512xf32, #tpu.memory_space<vmem>>) dst(%dma_wait3A_32 : memref<512xf32, #tpu.memory_space<hbm>>)
        tpu.yield
      }) : () -> ()
    } else {
    }
    return
  }
}

module attributes {stable_mosaic.version = 14 : i64} {
  func.func @_proj_body(%arg0: i32, %arg1: memref<17x2048xf32, #tpu.memory_space<vmem>>, %arg2: memref<17x1024xf32, #tpu.memory_space<vmem>>, %arg3: memref<2048x1024xf32, #tpu.memory_space<vmem>>) attributes {dimension_semantics = [#tpu.dimension_semantics<arbitrary>], iteration_bounds = array<i64: 49>, scalar_prefetch = 0 : i64, scratch_operands = 0 : i64, tpu.core_type = #tpu.core_type<tc>, window_params = [{transform_indices = @transform_0, window_bounds = array<i64: 17, 2048>}, {pipeline_mode = #tpu.pipeline_mode<synchronous>, transform_indices = @transform_1, window_bounds = array<i64: 17, 1024>}, {transform_indices = @transform_2, window_bounds = array<i64: 2048, 1024>}]} {
    %get3A = arith.constant 0 : index
    %get3A_0 = arith.constant 0 : index
    %get3A_1 = vector.load %arg1[%get3A, %get3A_0] : memref<17x2048xf32, #tpu.memory_space<vmem>>, vector<17x2048xf32>
    %get3A_2 = arith.constant 0 : index
    %get3A_3 = arith.constant 0 : index
    %get3A_4 = vector.load %arg2[%get3A_2, %get3A_3] : memref<17x1024xf32, #tpu.memory_space<vmem>>, vector<17x1024xf32>
    %dot_general3A = arith.constant dense<0.000000e+00> : vector<2048x1024xf32>
    %dot_general3A_5 = tpu.matmul %get3A_1, %get3A_4, %dot_general3A {dimension_numbers = #tpu.dot_dimension_numbers<[0], [0], [1], [1], [0, 1, 1, 1], [], []>, transpose_lhs_hint = false} : vector<17x2048xf32>, vector<17x1024xf32>, vector<2048x1024xf32> -> vector<2048x1024xf32>
    %swap3A = arith.constant 0 : index
    %swap3A_6 = arith.constant 0 : index
    %swap3A_7 = vector.load %arg3[%swap3A, %swap3A_6] : memref<2048x1024xf32, #tpu.memory_space<vmem>>, vector<2048x1024xf32>
    tpu.vector_store %arg3[%swap3A, %swap3A_6], %dot_general3A_5 {strides = array<i32>} : memref<2048x1024xf32, #tpu.memory_space<vmem>>, vector<2048x1024xf32>,
    return
  }
  func.func @transform_0(%arg0: i32) -> (i32, i32) {
    %c0_i32 = arith.constant 0 : i32
    %c0_i32_0 = arith.constant 0 : i32
    return %c0_i32, %arg0 : i32, i32
  }
  func.func @transform_1(%arg0: i32) -> (i32, i32) {
    %c0_i32 = arith.constant 0 : i32
    %c0_i32_0 = arith.constant 0 : i32
    %c0_i32_1 = arith.constant 0 : i32
    return %c0_i32, %c0_i32_0 : i32, i32
  }
  func.func @transform_2(%arg0: i32) -> (i32, i32) {
    %c0_i32 = arith.constant 0 : i32
    %c0_i32_0 = arith.constant 0 : i32
    return %arg0, %c0_i32 : i32, i32
  }
}

</mosaic_0001>

<sc_bundles>
// kernel: kernel.4.cloned.1.call-start
scs
__scs_entry_jumppad:
0x0: {  	(pc) =	sbr.rel $0x88, $3  }
0x1: {  	(tag) =	ssettag $0x0;
	lr =	simm.s32 $0x1  }
0x2: {  	[smem:$0x3F9D] =	sst lr;
	_ =	strace $0xD0000000  }
0x3: {  	_ = 	snop  }
0x4: {  	_ = 	snop  }
0x5: {  	_ = 	snop  }
0x6: {  	_ = 	snop  }
0x7: {  	_ = 	snop  }
__scs_overlays_trampoline_lowered:
0x8: {  	[smem:$0x3FAC] =	sst s0  }
0x9: {  	[smem:$0x3FAD] =	sst s1  }
0xa: {  	[smem:$0x3FAE] =	sst s2  }
0xb: {  	[smem:$0x3FAF] =	sst s3  }
0xc: {  	[smem:$0x3FB0] =	sst s4  }
0xd: {  	[smem:$0x3FB1] =	sst s5  }
0xe: {  	[smem:$0x3FB2] =	sst s6  }
0xf: {  	[smem:$0x3FB3] =	sst s7  }
0x10: {  	[smem:$0x3FB4] =	sst s8  }
0x11: {  	[smem:$0x3FB5] =	sst s9;
	s0 =	simm.s32 @!p0 $0x0  }
0x12: {  	s1 =	sld [smem:$0x3F9B];
	s0 =	simm.s32 @p0 $0x1  }
0x13: {  	[smem:$0x3FB6] =	sst s0;
	s0 =	simm.s32 @!p1 $0x0  }
0x14: {  	s2 =	sld [smem:$0x3F9A];
	s0 =	simm.s32 @p1 $0x1  }
0x15: {  	[smem:$0x3FB7] =	sst s0;
	s0 =	simm.s32 @!p2 $0x0  }
0x16: {  	s3 =	sld [smem:$0x3FDB];
	s0 =	simm.s32 @p2 $0x1  }
0x17: {  	s4 =	simm.s32 $0x1BF5;
	[smem:$0x3FB9] =	sst s0  }
0x18: {  	s0 =	sld [smem:$0x3F9C];
	_ =	swait.ge [sflag:s4], $0x0  }
0x19: {  	s7 =	sld [smem:$0x3F9D]  }
0x1a: {  	s8 =	sadd.s32 $0xFFFFE003, lr  }
0x1b: {  	s9 =	sadd.s32 $0xFFFFFEF7, lr;
	s5 =	simm.s32 $0xFFFFFFFF;
	p2 =	slt.u32 s8, $0xFFFFF086  }
0x1c: {  	p1 =	slt.u32 s9, $0xF7A;
	s5 =	simm.s32 @!p2 $0x0  }
0x1d: {  	s5 =	simm.s32 @p1 $0x1;
	p0 =	seq.s32 s7, s2  }
0x1e: {  	s7 =	smul.u32 @!p0 $0xF7A, s2;
	p2 =	seq.s32 @!p0 s5, $0x0  }
0x1f: {  	s9 =	smul.u32 $0xF7A, s1;
	s8 =	simm.s32 @!p0 $0x1BF5;
	p2 =	por !p2, p0  }
0x20: {  	[sflag:s8] =	ssyncset.s32 @!p0 $0xFFFFF086;
	s6 =	sadd.s32 @!p0 s3, s7;
	s7 =	simm.s32 @!p0 $0x108  }
0x21: {  	s3 =	sadd.s32 s3, s9;
	s6 =	sadd.s32 @!p0 $0x88, s6;
	s7 =	simm.s32 @p2 $0x1082  }
0x22: {  	[simem:s7], [sflag:s8] =	dma.local @!p0 [hbm:s6], $0xF7A  }
0x23: {  	s9 =	sor.u32 $0xD0000000, s2;
	s6 =	simm.s32 $0x108;
	_ =	swait.ge @!p0 [sflag:s8], $0x0  }
0x24: {  	s3 =	sadd.s32 $0x88, s3;
	s6 =	simm.s32 @!p1 $0x1082;
	[sflag:s4] =	ssyncset.s32 $0xFFFFF086  }
0x25: {  	[simem:s6], [sflag:s4] =	dma.local [hbm:s3], $0xF7A  }
0x26: {  	[smem:$0x3F9D] =	sst s1;
	(tag) =	ssettag s2;
	_ =	strace s9  }
0x27: {  	s1 =	sld [smem:$0x3FAD]  }
0x28: {  	s2 =	sld [smem:$0x3FAE]  }
0x29: {  	s4 =	sld [smem:$0x3FB0]  }
0x2a: {  	p0 =	seq.s32 s5, $0x0;
	s5 =	sld [smem:$0x3FB1]  }
0x2b: {  	s6 =	sld [smem:$0x3FB2]  }
0x2c: {  	s7 =	sld [smem:$0x3FB3]  }
0x2d: {  	s3 =	simm.s32 $0x108;
	s8 =	sld [smem:$0x3FB4]  }
0x2e: {  	s3 =	simm.s32 @!p0 $0x1082;
	s9 =	sld [smem:$0x3FB5]  }
0x2f: {  	lr =	sadd.s32 s0, s3;
	s0 =	sld [smem:$0x3FAC]  }
0x30: {  	s3 =	sld [smem:$0x3FAF]  }
0x31: {  	[smem:$0x3FB8] =	sst s10  }
0x32: {  	s10 =	sld [smem:$0x3FB6];
	_ =	sdelay $0x3  }
0x33: {  	p0 =	seq.s32 s10, $0x1;
	s10 =	sld [smem:$0x3FB8];
	_ =	sdelay $0x3  }
0x34: {  	[smem:$0x3FB8] =	sst s10  }
0x35: {  	s10 =	sld [smem:$0x3FB7];
	_ =	sdelay $0x3  }
0x36: {  	p1 =	seq.s32 s10, $0x1;
	s10 =	sld [smem:$0x3FB8];
	_ =	sdelay $0x3  }
0x37: {  	[smem:$0x3FB8] =	sst s10  }
0x38: {  	s10 =	sld [smem:$0x3FB9]  }
0x39: {  	_ = 	snop;
	(pc) =	sbr.ind lr, $3  }
0x3a: {  	_ = 	snop  }
0x3b: {  	_ = 	snop  }
0x3c: {  	p2 =	seq.s32 s10, $0x1;
	s10 =	sld [smem:$0x3FB8]  }
0x3d: {  	_ =	shalt  }
0x3e: {  	_ =	shalt  }
0x3f: {  	_ =	shalt  }
0x40: {  	_ =	shalt  }
0x41: {  	_ =	shalt  }
0x42: {  	_ =	shalt  }
0x43: {  	_ =	shalt  }
0x44: {  	_ =	shalt  }
0x45: {  	_ =	shalt  }
0x46: {  	_ =	shalt  }
0x47: {  	_ =	shalt  }
0x48: {  	_ =	shalt  }
0x49: {  	_ =	shalt  }
0x4a: {  	_ =	shalt  }
0x4b: {  	_ =	shalt  }
0x4c: {  	_ =	shalt  }
0x4d: {  	_ =	shalt  }
0x4e: {  	_ =	shalt  }
0x4f: {  	_ =	shalt  }
0x50: {  	_ =	shalt  }
0x51: {  	_ =	shalt  }
0x52: {  	_ =	shalt  }
0x53: {  	_ =	shalt  }
0x54: {  	_ =	shalt  }
0x55: {  	_ =	shalt  }
0x56: {  	_ =	shalt  }
0x57: {  	_ =	shalt  }
0x58: {  	_ =	shalt  }
0x59: {  	_ =	shalt  }
0x5a: {  	_ =	shalt  }
0x5b: {  	_ =	shalt  }
0x5c: {  	_ =	shalt  }
0x5d: {  	_ =	shalt  }
0x5e: {  	_ =	shalt  }
0x5f: {  	_ =	shalt  }
0x60: {  	_ =	shalt  }
0x61: {  	_ =	shalt  }
0x62: {  	_ =	shalt  }
0x63: {  	_ =	shalt  }
0x64: {  	_ =	shalt  }
0x65: {  	_ =	shalt  }
0x66: {  	_ =	shalt  }
0x67: {  	_ =	shalt  }
0x68: {  	_ =	shalt  }
0x69: {  	_ =	shalt  }
0x6a: {  	_ =	shalt  }
0x6b: {  	_ =	shalt  }
0x6c: {  	_ =	shalt  }
0x6d: {  	_ =	shalt  }
0x6e: {  	_ =	shalt  }
0x6f: {  	_ =	shalt  }
0x70: {  	_ =	shalt  }
0x71: {  	_ =	shalt  }
0x72: {  	_ =	shalt  }
0x73: {  	_ =	shalt  }
0x74: {  	_ =	shalt  }
0x75: {  	_ =	shalt  }
0x76: {  	_ =	shalt  }
0x77: {  	_ =	shalt  }
0x78: {  	_ =	shalt  }
0x79: {  	_ =	shalt  }
0x7a: {  	_ =	shalt  }
0x7b: {  	_ =	shalt  }
0x7c: {  	_ =	shalt  }
0x7d: {  	_ =	shalt  }
0x7e: {  	_ =	shalt  }
0x7f: {  	_ =	shalt  }
0x80: {  	_ =	shalt  }
0x81: {  	_ =	shalt  }
0x82: {  	_ =	shalt  }
0x83: {  	_ =	shalt  }
0x84: {  	_ =	shalt  }
0x85: {  	_ =	shalt  }
0x86: {  	_ =	shalt  }
0x87: {  	_ =	shalt  }
.Lfunc_end0:
.L_simem_size_0:
called_computation_lowered:
.L_overlay_start_0:
0x88: {  	s2 =	sld [smem:$0x3FD9]  }
0x89: {  	s3 =	sld [smem:$0x3FFE];
	_ =	sdelay $0x1  }
0x8a: {  	s1 =	srdreg.scid  }
0x8b: {  	s0 =	sand.u32 $0x1, s1  }
0x8c: {  	s18 =	sshll.u32 s0, $0xA;
	s2 =	sadd.s32 s3, s2  }
0x8d: {  	s2 =	sadd.s32 s2, s18  }
0x8e: {  	[smem:$0x3FC4] =	sst s2  }
0x8f: {  	_ = 	snop  }
0x90: {  	s2 =	sld [smem:$0x3FC9]  }
0x91: {  	s19 =	sld [smem:$0x3FC8]  }
0x92: {  	s4 =	sld [smem:$0x3FD0];
	(tm) =	ssettm $0x1  }
0x93: {  	s5 =	sld [smem:$0x3FFB];
	_ =	sdelay $0x3  }
0x94: {  	_ =	strace s5  }
0x95: {  	s5 =	sld [smem:$0x3FFC];
	_ =	sdelay $0x3  }
0x96: {  	_ =	strace s5  }
0x97: {  	s5 =	sld [smem:$0x3FFD];
	_ =	sdelay $0x3  }
0x98: {  	_ =	strace s5  }
0x99: {  	_ =	strace $0x8FFFFFFF  }
0x9a: {  	s20 =	sld [smem:$0x3FDB];
	_ =	sdelay $0x1  }
0x9b: {  	s6 =	simm.s32 $_scs_section_size  }
0x9c: {  	s7 =	simm.s32 $_size__tile_overlayer_lowered;
	s8 =	simm.s32 $_tile_overlayer_lowered  }
0x9d: {  	s23 =	simm.s32 $0x1BFF;
	s22 =	sshll.u32 s8, $0x1;
	s5 =	sadd.s32 s6, s20  }
0x9e: {  	s9 =	simm.s32 $0x0;
	s21 =	sshll.u32 s7, $0x1;
	s7 =	sadd.s32 s22, s5  }
0x9f: {  	[timem:s9], [sflag:s23] =	dma.local [hbm:s7], s21  }
0xa0: {  	_ =	swait.ge [sflag:s23], s21  }
0xa1: {  	s6 =	ssub.s32 $0x0, s21;
	[sflag:s23] =	ssyncset.done $0x0  }
0xa2: {  	[sflag:s23] =	ssyncadd.s32 s6;
	_ =	sdelay $0x1  }
0xa3: {  	s24 =	simm.s32 $0x1B8B  }
0xa4: {  	_ =	swait.ge [sflag:s24], $0x1  }
0xa5: {  	[sflag:s24] =	ssyncset.done $0x0  }
0xa6: {  	s25 =	simm.s32 $0x1B8E;
	[sflag:s24] =	ssyncadd.s32 $0xFFFFFFFF  }
0xa7: {  	s26 =	simm.s32 $execute0_lowered;
	[smem:$0x3FD2] =	sst s25  }
0xa8: {  	s6 =	sshll.u32 s26, $0x1;
	_ =	strace $0x80000046;
	[dreg:$0x1] =	wrdreg $0xFFFFFFFF  }
0xa9: {  	s28 =	simm.s32 $_size_execute0_lowered;
	s5 =	sadd.s32 s5, s6;
	[dreg:$0x0] =	wrdreg $0x0  }
0xaa: {  	s6 =	sshll.u32 s28, $0x1;
	[dreg:$0x2] =	wrdreg s5  }
0xab: {  	[dreg:$0x3] =	wrdreg s6  }
0xac: {  	[dreg:$0x4] =	wrdreg $0xC0  }
0xad: {  	_ =	task [dreg:s9], $0x5FFFF  }
0xae: {  	[dreg:$0x1] =	wrdreg $0xFFFFFFFF  }
0xaf: {  	[dreg:$0x0] =	wrdreg $0x60  }
0xb0: {  	[dreg:$0x2] =	wrdreg s2  }
0xb1: {  	[dreg:$0x3] =	wrdreg s19  }
0xb2: {  	[dreg:$0x4] =	wrdreg s4  }
0xb3: {  	[dreg:$0x5] =	wrdreg $0x9  }
0xb4: {  	_ =	task.clear_ibuf [dreg:s9], $0x6FFFF;
	_ =	strace $0x90000046  }
0xb5: {  	s29 =	simm.s32 $0x9;
	_ =	strace $0x80000048  }
0xb6: {  	_ =	swait.ge [sflag:s29], $0x1  }
0xb7: {  	[sflag:s29] =	ssyncadd.s32 $0xFFFFFFFF  }
0xb8: {  	_ =	strace $0x90000048  }
0xb9: {  	_ =	sfence  }
0xba: {  	s30 =	sld [smem:$0x0];
	_ =	sdelay $0x2  }
0xbb: {  	s31 =	sshll.u32 s1, $0xD;
	s1 =	sshrl.u32 s1, $0x2  }
0xbc: {  	s3 =	sand.u32 $0x4000, s31;
	s1 =	sadd.s32 s1, s30  }
0xbd: {  	s0 =	sor.u32 s3, s0;
	s1 =	sshll.u32 s1, $0x11  }
0xbe: {  	s0 =	sor.u32 s1, s0  }
0xbf: {  	s0 =	sadd.s32 $0x8F2B, s0  }
0xc0: {  	[sflag:s0] =	ssyncadd.remote.s32 $0x1  }
0xc1: {  	_ =	sfence.sel $0xFFFF  }
0xc2: {  	[dreg:$0x0] =	wrdreg $0xFFFFFFFF;
	(pc) =	sbr.abs _section_cstart, $3  }
0xc3: {  	[dreg:$0x1] =	wrdreg $0xFFFFFFFF  }
0xc4: {  	_ =	task.clear_ibuf [dreg:s9], $0x2FFFF;
	_ =	strace $0x9FFFFFFF  }
0xc5: {  	(tm) =	ssettm $0x7FFFFFFF  }
tec
execute0_lowered:
.L_overlay_start_1:
0x0: {  	(tag) =	ssettag $0x1  }
0x1: {  	s3 =	rddreg [dreg:$0x0]  }
0x2: {  	s2 =	rddreg [dreg:$0x1]  }
0x3: {  	s5 =	rddreg [dreg:$0x2]  }
0x4: {  	s0 =	rddreg [dreg:$0x3];
	s1 =	simm.s32 $0x0  }
0x5: {  	s4 =	srdreg.scid;
	s13 =	stileid.u32;
	s11 =	simm.s32 $0x18700  }
0x6: {  	s12 =	simm.s32 $0x1;
	s14 =	simm.s32 $0x2;
	s15 =	simm.s32 $0x0  }
0x7: {  	[smem:$0x7FF] =	sst s1;
	s4 =	sand.u32 $0x1, s4;
	s6 =	sshrl.u32 s13, $0x3  }
0x8: {  	s8 =	sshll.u32 s13, $0x7;
	s29 =	sshll.u32 s13, $0xA;
	p0 =	sne.s32 s13, $0x0  }
0x9: {  	s13 =	simm.s32 $0x1B700;
	s7 =	ssub.s32 $0x2, s4;
	s6 =	smul.u32 $0xC3800, s6  }
0xa: {  	_ =	strace $0x80000047;
	s8 =	sand.u32 $0x380, s8;
	s10 =	sshll.u32 s4, $0x9  }
0xb: {  	s31 =	sshll.u32 s4, $0x6;
	s9 =	sshrl.u32 s7, $0x1;
	s3 =	sadd.s32 s3, s10  }
.Ltmp0:
0xc: {  	s6 =	sor.u32 s8, s6;
	s7 =	ssub.s32 s7, s9;
	(pc) =	sbr.rel .LBB2_1-.Ltmp0, $4  }
0xd: {  	s8 =	sor.u32 s10, s29;
	s9 =	simm.s32 $0x1000;
	s10 =	simm.s32 $0x2000  }
0xe: {  	s6 =	sshrl.u32 s6, $0x3;
	s30 =	sshrl.u32 s8, $0x3;
	s8 =	simm.s32 $0x400  }
0xf: {  	s2 =	sadd.s32 s2, s6;
	s4 =	sadd.s32 s5, s30;
	s5 =	sadd.s32 s31, s5  }
0x10: {  	v30 =	vlaneseq.u32;
	s6 =	smax.u32 s7, $0x1;
	s7 =	simm.s32 $0x80;
	s5 =	sadd.s32 $0x800, s5  }
.LBB2_6:
0x11: {  	[tilespmem:s16+$0xFFFFFFF0] =	vst v0  }
0x12: {  	[hbm4b:s5+s1] =	stream.linear.scatter [tilespmem:s13], [sflag:$0x2], $0x200, $0x38;
	[tilespmem:$0x1B900] =	vst v63  }
0x13: {  	_ =	swait.ge [sflag:s14], $0x200  }
0x14: {  	[sflag:s14] =	ssyncset.done $0x0  }
0x15: {  	[sflag:s14] =	ssyncadd.s32 $0xFFFFFE00  }
.LBB2_7:
0x16: {  	s15 =	sadd.s32 $0x1, s15  }
0x17: {  	p1 =	sne.s32 s15, s6  }
.Ltmp1:
0x18: {  	_ = 	snop;
	(pc) =	sbr.rel @!p1 .LBB2_8-.Ltmp1, $1  }
0x19: {  	_ =	sdelay $0x3  }
.LBB2_1:
0x1a: {  	[tilespmem:s1], [sflag:$0x1] =	stream.strided.gather [hbm4b:s2+s7], $0x18700, s8, s7, $0x38;
	[tilespmem:$0x1B900] =	vst v63  }
0x1b: {  	s16 =	simm.s32 $0x30  }
0x1c: {  	s31 =	simm.s32 $0x10;
	v0 =	vmov s16  }
0x1d: {  	v1 =	vor.u32 s16, v30;
	[tilespmem:s11], [sflag:$0x1] =	stream.strided.gather [hbm4b:s3+s9], $0x3000, s10, s9, $0x38;
	v0 =	vshll.u32 v0, $0x3;
	[tilespmem:$0x1B900] =	vst v63  }
0x1e: {  	v3 =	vmov s31;
	v1 =	vand.u32 $0x7F, v1;
	_ =	swait.ge [sflag:s12], $0x18700;
	v2 =	vand.u32 $0xC00, v0  }
0x1f: {  	v23 =	vshll.u32 v3, $0x3;
	v0 =	vor.u32 v1, v0;
	[sflag:s12] =	ssyncset.done $0x0;
	v4 =	vor.u32 v1, v2  }
0x20: {  	s17 =	simm.s32 $0x20;
	v3 =	vor.u32 s31, v30;
	v5 =	vand.u32 $0xC00, v23;
	v0 =	vor.u32 $0x380, v0;
	[sflag:s12] =	ssyncadd.s32 $0xFFFE7900  }
0x21: {  	v24 =	vand.u32 $0x5F, v3;
	v2 =	vmov s17;
	v8 =	vor.u32 $0x180, v4;
	_ =	swait.ge [sflag:s12], $0x3000  }
0x22: {  	v3 =	vor.u32 s17, v30;
	v6 =	vor.u32 $0x80, v4;
	v25 =	vshll.u32 v2, $0x3;
	[sflag:s12] =	ssyncset.done $0x0  }
0x23: {  	v26 =	vand.u32 $0x6F, v3;
	v2 =	vor.u32 v24, v5;
	v5 =	vand.u32 $0xC00, v25;
	[sflag:s12] =	ssyncadd.s32 $0xFFFFD000  }
0x24: {  	v7 =	vor.u32 $0x100, v4;
	v3 =	vor.u32 v26, v5;
	v5 =	vld.idx.msk [tilespmem:v4+s11+$0x0], $0xffff  }
0x25: {  	v9 =	vor.u32 $0x200, v4;
	v0 =	vld.idx.msk [tilespmem:v0+s11+$0x0], $0xffff  }
0x26: {  	v10 =	vor.u32 $0x280, v4;
	v8 =	vld.idx.msk [tilespmem:v8+s11+$0x0], $0xffff  }
0x27: {  	v6 =	vld.idx.msk [tilespmem:v6+s11+$0x0], $0xffff  }
0x28: {  	v27 =	vld.idx.msk [tilespmem:v2+s11+$0x0], $0xffff  }
0x29: {  	v7 =	vld.idx.msk [tilespmem:v7+s11+$0x0], $0xffff  }
0x2a: {  	v9 =	vld.idx.msk [tilespmem:v9+s11+$0x0], $0xffff  }
0x2b: {  	v11 =	vor.u32 $0x300, v4;
	v1 =	vld.idx.msk [tilespmem:v10+s11+$0x0], $0xffff  }
0x2c: {  	v28 =	vld.idx.msk [tilespmem:v3+s11+$0x0], $0xffff  }
0x2d: {  	v22 =	vld.idx.msk [tilespmem:v5+s1+$0x0], $0xffff  }
0x2e: {  	v20 =	vld.idx.msk [tilespmem:v8+s1+$0x0], $0xffff;
	v8 =	vor.u32 $0x1100, v4  }
0x2f: {  	v21 =	vld.idx.msk [tilespmem:v6+s1+$0x0], $0xffff  }
0x30: {  	v5 =	vor.u32 $0x1000, v4;
	v6 =	vld.idx.msk [tilespmem:v11+s11+$0x0], $0xffff  }
0x31: {  	v19 =	vld.idx.msk [tilespmem:v7+s1+$0x0], $0xffff  }
0x32: {  	v7 =	vor.u32 $0x1080, v4;
	v18 =	vld.idx.msk [tilespmem:v9+s1+$0x0], $0xffff  }
0x33: {  	v9 =	vor.u32 $0x1180, v4;
	v8 =	vld.idx.msk [tilespmem:v8+s11+$0x0], $0xffff  }
0x34: {  	v16 =	vld.idx.msk [tilespmem:v1+s1+$0x0], $0xffff  }
0x35: {  	v1 =	vor.u32 $0x1200, v4;
	v5 =	vld.idx.msk [tilespmem:v5+s11+$0x0], $0xffff  }
0x36: {  	v15 =	vld.idx.msk [tilespmem:v0+s1+$0x0], $0xffff  }
0x37: {  	v0 =	vor.u32 $0x1300, v4;
	v7 =	vld.idx.msk [tilespmem:v7+s11+$0x0], $0xffff  }
0x38: {  	v9 =	vld.idx.msk [tilespmem:v9+s11+$0x0], $0xffff  }
0x39: {  	v17 =	vld.idx.msk [tilespmem:v6+s1+$0x0], $0xffff;
	v6 =	vor.u32 $0x1280, v4  }
0x3a: {  	v1 =	vld.idx.msk [tilespmem:v1+s11+$0x0], $0xffff  }
0x3b: {  	v12 =	vld.idx.msk [tilespmem:v8+s1+$0x0], $0xffff;
	v8 =	vor.u32 $0x2080, v4  }
0x3c: {  	v0 =	vld.idx.msk [tilespmem:v0+s11+$0x0], $0xffff  }
0x3d: {  	v14 =	vld.idx.msk [tilespmem:v5+s1+$0x0], $0xffff  }
0x3e: {  	v5 =	vor.u32 $0x1380, v4;
	v6 =	vld.idx.msk [tilespmem:v6+s11+$0x0], $0xffff  }
0x3f: {  	v13 =	vld.idx.msk [tilespmem:v7+s1+$0x0], $0xffff;
	v7 =	vor.u32 $0x2000, v4  }
0x40: {  	v32 =	vld.idx.msk [tilespmem:v8+s11+$0x0], $0xffff  }
0x41: {  	v10 =	vld.idx.msk [tilespmem:v9+s1+$0x0], $0xffff  }
0x42: {  	v29 =	vor.u32 $0x2100, v4;
	v9 =	vmov s1;
	v11 =	vld.idx.msk [tilespmem:v1+s1+$0x0], $0xffff  }
0x43: {  	v56 =	vor.u32 s1, v30;
	v31 =	vshll.u32 v9, $0x3;
	v5 =	vld.idx.msk [tilespmem:v5+s11+$0x0], $0xffff  }
0x44: {  	v30 =	vand.u32 $0x4F, v56;
	v1 =	vor.u32 $0x2180, v4;
	v4 =	vand.u32 $0xC00, v31;
	v7 =	vld.idx.msk [tilespmem:v7+s11+$0x0], $0xffff  }
0x45: {  	v4 =	vor.u32 v30, v4;
	v8 =	vld.idx.msk [tilespmem:v0+s1+$0x0], $0xffff  }
0x46: {  	v9 =	vld.idx.msk [tilespmem:v6+s1+$0x0], $0xffff  }
0x47: {  	v57 =	vor.u32 $0x80, v2;
	v6 =	vld.idx.msk [tilespmem:v29+s11+$0x0], $0xffff  }
0x48: {  	v0 =	vld.idx.msk [tilespmem:v32+s1+$0x0], $0xffff  }
0x49: {  	v34 =	vor.u32 $0x80, v3;
	v33 =	vld.idx.msk [tilespmem:v1+s11+$0x0], $0xffff  }
0x4a: {  	v35 =	vld.idx.msk [tilespmem:v4+s11+$0x0], $0xffff  }
0x4b: {  	v1 =	vld.idx.msk [tilespmem:v5+s1+$0x0], $0xffff;
	v5 =	vor.u32 $0x80, v4  }
0x4c: {  	v29 =	vld.idx.msk [tilespmem:v57+s11+$0x0], $0xffff  }
0x4d: {  	v36 =	vor.u32 $0x100, v2;
	v7 =	vld.idx.msk [tilespmem:v7+s1+$0x0], $0xffff;
	[tilespmem:$0x1FFF0] =	vst v0  }
0x4e: {  	v58 =	vor.u32 $0x100, v3;
	v34 =	vld.idx.msk [tilespmem:v34+s11+$0x0], $0xffff  }
0x4f: {  	v37 =	vor.u32 $0x100, v4;
	v6 =	vld.idx.msk [tilespmem:v6+s1+$0x0], $0xffff  }
0x50: {  	v38 =	vld.idx.msk [tilespmem:v5+s11+$0x0], $0xffff  }
0x51: {  	v5 =	vld.idx.msk [tilespmem:v33+s1+$0x0], $0xffff  }
0x52: {  	v59 =	vld.idx.msk [tilespmem:v36+s11+$0x0], $0xffff  }
0x53: {  	v60 =	vor.u32 $0x180, v2;
	v32 =	vld.idx.msk [tilespmem:v58+s11+$0x0], $0xffff  }
0x54: {  	v39 =	vor.u32 $0x180, v3;
	v37 =	vld.idx.msk [tilespmem:v37+s11+$0x0], $0xffff  }
0x55: {  	v40 =	vor.u32 $0x180, v4;
	v27 =	vld.idx.msk [tilespmem:v27+s1+$0x0], $0xffff  }
0x56: {  	v28 =	vld.idx.msk [tilespmem:v28+s1+$0x0], $0xffff  }
0x57: {  	v41 =	vor.u32 $0x200, v2;
	v35 =	vld.idx.msk [tilespmem:v35+s1+$0x0], $0xffff  }
0x58: {  	v61 =	vor.u32 $0x200, v3;
	v30 =	vor.u32 v31, v30;
	v36 =	vld.idx.msk [tilespmem:v60+s11+$0x0], $0xffff  }
0x59: {  	v42 =	vor.u32 $0x200, v30;
	v39 =	vld.idx.msk [tilespmem:v39+s11+$0x0], $0xffff  }
0x5a: {  	v43 =	vor.u32 $0x280, v2;
	v40 =	vld.idx.msk [tilespmem:v40+s11+$0x0], $0xffff  }
0x5b: {  	v44 =	vor.u32 $0x280, v3;
	v29 =	vld.idx.msk [tilespmem:v29+s1+$0x0], $0xffff  }
0x5c: {  	v45 =	vor.u32 $0x280, v30;
	v41 =	vld.idx.msk [tilespmem:v41+s11+$0x0], $0xffff  }
0x5d: {  	v46 =	vor.u32 $0x300, v2;
	v31 =	vld.idx.msk [tilespmem:v61+s11+$0x0], $0xffff  }
0x5e: {  	v47 =	vor.u32 $0x300, v3;
	v42 =	vld.idx.msk [tilespmem:v42+s11+$0x0], $0xffff  }
0x5f: {  	v23 =	vor.u32 v24, v23;
	v48 =	vor.u32 $0x300, v30;
	v43 =	vld.idx.msk [tilespmem:v43+s11+$0x0], $0xffff  }
0x60: {  	v23 =	vor.u32 $0x380, v23;
	v25 =	vor.u32 v26, v25;
	v44 =	vld.idx.msk [tilespmem:v44+s11+$0x0], $0xffff  }
0x61: {  	v25 =	vor.u32 $0x380, v25;
	v45 =	vld.idx.msk [tilespmem:v45+s11+$0x0], $0xffff  }
0x62: {  	v57 =	vor.u32 $0x380, v30;
	v62 =	vld.idx.msk [tilespmem:v46+s11+$0x0], $0xffff  }
0x63: {  	v49 =	vor.u32 $0x1000, v3;
	v22 =	vadd.f32 $0.0e+00, v22;
	v63 =	vld.idx.msk [tilespmem:v47+s11+$0x0], $0xffff  }
0x64: {  	v50 =	vor.u32 $0x1000, v4;
	v56 =	vld.idx.msk [tilespmem:v48+s11+$0x0], $0xffff  }
0x65: {  	v51 =	vor.u32 $0x1080, v2;
	v21 =	vadd.f32 v21, v22;
	v23 =	vld.idx.msk [tilespmem:v23+s11+$0x0], $0xffff  }
0x66: {  	v52 =	vor.u32 $0x1080, v3;
	v25 =	vld.idx.msk [tilespmem:v25+s11+$0x0], $0xffff  }
0x67: {  	v19 =	vadd.f32 v19, v21;
	v53 =	vor.u32 $0x1080, v4;
	v47 =	vld.idx.msk [tilespmem:v57+s11+$0x0], $0xffff  }
0x68: {  	v54 =	vor.u32 $0x1100, v2;
	v49 =	vld.idx.msk [tilespmem:v49+s11+$0x0], $0xffff  }
0x69: {  	v55 =	vor.u32 $0x1100, v3;
	v19 =	vadd.f32 v20, v19;
	v50 =	vld.idx.msk [tilespmem:v50+s11+$0x0], $0xffff  }
0x6a: {  	v22 =	vor.u32 $0x1280, v3;
	v51 =	vld.idx.msk [tilespmem:v51+s11+$0x0], $0xffff  }
0x6b: {  	v18 =	vadd.f32 v18, v19;
	v19 =	vor.u32 $0x1300, v3;
	v52 =	vld.idx.msk [tilespmem:v52+s11+$0x0], $0xffff  }
0x6c: {  	v0 =	vor.u32 $0x1280, v30;
	v53 =	vld.idx.msk [tilespmem:v53+s11+$0x0], $0xffff  }
0x6d: {  	v58 =	vor.u32 $0x1000, v2;
	v54 =	vld.idx.msk [tilespmem:v54+s11+$0x0], $0xffff  }
0x6e: {  	v57 =	vor.u32 $0x1180, v2;
	v55 =	vld.idx.msk [tilespmem:v55+s11+$0x0], $0xffff  }
0x6f: {  	v60 =	vor.u32 $0x1200, v2;
	v22 =	vld.idx.msk [tilespmem:v22+s11+$0x0], $0xffff  }
0x70: {  	v61 =	vor.u32 $0x1200, v3;
	v19 =	vld.idx.msk [tilespmem:v19+s11+$0x0], $0xffff  }
0x71: {  	v0 =	vld.idx.msk [tilespmem:v0+s11+$0x0], $0xffff  }
0x72: {  	v48 =	vld.idx.msk [tilespmem:v58+s11+$0x0], $0xffff  }
0x73: {  	v57 =	vld.idx.msk [tilespmem:v57+s11+$0x0], $0xffff  }
0x74: {  	v60 =	vld.idx.msk [tilespmem:v60+s11+$0x0], $0xffff  }
0x75: {  	v61 =	vld.idx.msk [tilespmem:v61+s11+$0x0], $0xffff  }
0x76: {  	v34 =	vld.idx.msk [tilespmem:v34+s1+$0x0], $0xffff  }
0x77: {  	v38 =	vld.idx.msk [tilespmem:v38+s1+$0x0], $0xffff  }
0x78: {  	v33 =	vld.idx.msk [tilespmem:v59+s1+$0x0], $0xffff  }
0x79: {  	v32 =	vld.idx.msk [tilespmem:v32+s1+$0x0], $0xffff  }
0x7a: {  	v37 =	vld.idx.msk [tilespmem:v37+s1+$0x0], $0xffff  }
0x7b: {  	v36 =	vld.idx.msk [tilespmem:v36+s1+$0x0], $0xffff  }
0x7c: {  	v39 =	vld.idx.msk [tilespmem:v39+s1+$0x0], $0xffff  }
0x7d: {  	v40 =	vld.idx.msk [tilespmem:v40+s1+$0x0], $0xffff  }
0x7e: {  	v41 =	vld.idx.msk [tilespmem:v41+s1+$0x0], $0xffff  }
0x7f: {  	v31 =	vld.idx.msk [tilespmem:v31+s1+$0x0], $0xffff  }
0x80: {  	v42 =	vld.idx.msk [tilespmem:v42+s1+$0x0], $0xffff  }
0x81: {  	v43 =	vld.idx.msk [tilespmem:v43+s1+$0x0], $0xffff  }
0x82: {  	v44 =	vld.idx.msk [tilespmem:v44+s1+$0x0], $0xffff  }
0x83: {  	v45 =	vld.idx.msk [tilespmem:v45+s1+$0x0], $0xffff  }
0x84: {  	v24 =	vld.idx.msk [tilespmem:v62+s1+$0x0], $0xffff  }
0x85: {  	v26 =	vld.idx.msk [tilespmem:v63+s1+$0x0], $0xffff  }
0x86: {  	v46 =	vld.idx.msk [tilespmem:v56+s1+$0x0], $0xffff  }
0x87: {  	v23 =	vld.idx.msk [tilespmem:v23+s1+$0x0], $0xffff  }
0x88: {  	v25 =	vld.idx.msk [tilespmem:v25+s1+$0x0], $0xffff  }
0x89: {  	v56 =	vor.u32 $0x1100, v4;
	v47 =	vld.idx.msk [tilespmem:v47+s1+$0x0], $0xffff  }
0x8a: {  	v49 =	vld.idx.msk [tilespmem:v49+s1+$0x0], $0xffff  }
0x8b: {  	v50 =	vld.idx.msk [tilespmem:v50+s1+$0x0], $0xffff  }
0x8c: {  	v51 =	vld.idx.msk [tilespmem:v51+s1+$0x0], $0xffff  }
0x8d: {  	v58 =	vor.u32 $0x1180, v3;
	v52 =	vld.idx.msk [tilespmem:v52+s1+$0x0], $0xffff  }
0x8e: {  	v56 =	vld.idx.msk [tilespmem:v56+s11+$0x0], $0xffff  }
0x8f: {  	v59 =	vor.u32 $0x1180, v4;
	v53 =	vld.idx.msk [tilespmem:v53+s1+$0x0], $0xffff  }
0x90: {  	v62 =	vor.u32 $0x1200, v30;
	v54 =	vld.idx.msk [tilespmem:v54+s1+$0x0], $0xffff  }
0x91: {  	v21 =	vld.idx.msk [tilespmem:v55+s1+$0x0], $0xffff  }
0x92: {  	v63 =	vor.u32 $0x1280, v2;
	v58 =	vld.idx.msk [tilespmem:v58+s11+$0x0], $0xffff  }
0x93: {  	v16 =	vadd.f32 v16, v18;
	v48 =	vld.idx.msk [tilespmem:v48+s1+$0x0], $0xffff  }
0x94: {  	v59 =	vld.idx.msk [tilespmem:v59+s11+$0x0], $0xffff  }
0x95: {  	v16 =	vadd.f32 v17, v16;
	v17 =	vadd.f32 $0.0e+00, v27;
	v62 =	vld.idx.msk [tilespmem:v62+s11+$0x0], $0xffff  }
0x96: {  	v55 =	vld.idx.msk [tilespmem:v56+s1+$0x0], $0xffff;
	v56 =	vor.u32 $0x1300, v2  }
0x97: {  	v15 =	vadd.f32 v15, v16;
	v16 =	vadd.f32 v29, v17;
	v20 =	vld.idx.msk [tilespmem:v63+s11+$0x0], $0xffff;
	v63 =	vor.u32 $0x1300, v30  }
0x98: {  	v57 =	vld.idx.msk [tilespmem:v57+s1+$0x0], $0xffff  }
0x99: {  	v14 =	vadd.f32 v14, v15;
	v15 =	vadd.f32 v33, v16;
	v16 =	vld.idx.msk [tilespmem:v61+s1+$0x0], $0xffff  }
0x9a: {  	v28 =	vadd.f32 $0.0e+00, v28;
	v35 =	vadd.f32 $0.0e+00, v35;
	v30 =	vor.u32 $0x1380, v30;
	v18 =	vld.idx.msk [tilespmem:v58+s1+$0x0], $0xffff  }
0x9b: {  	v27 =	vld.idx.msk [tilespmem:v56+s11+$0x0], $0xffff;
	v56 =	vor.u32 $0x1380, v2  }
0x9c: {  	v28 =	vadd.f32 v34, v28;
	v29 =	vld.idx.msk [tilespmem:v63+s11+$0x0], $0xffff;
	v63 =	vadd.f32 v38, v35  }
0x9d: {  	v13 =	vadd.f32 v13, v14;
	v14 =	vadd.f32 v36, v15;
	v58 =	vld.idx.msk [tilespmem:v59+s1+$0x0], $0xffff;
	v59 =	vor.u32 $0x1380, v3  }
0x9e: {  	v28 =	vadd.f32 v32, v28;
	v35 =	vld.idx.msk [tilespmem:v60+s1+$0x0], $0xffff;
	v38 =	vadd.f32 v37, v63  }
0x9f: {  	v12 =	vadd.f32 v12, v13;
	v13 =	vadd.f32 v41, v14;
	v30 =	vld.idx.msk [tilespmem:v30+s11+$0x0], $0xffff  }
0xa0: {  	v28 =	vadd.f32 v39, v28;
	v14 =	vor.u32 $0x2000, v3;
	v32 =	vadd.f32 v40, v38;
	v15 =	vld.idx.msk [tilespmem:v56+s11+$0x0], $0xffff  }
0xa1: {  	v10 =	vadd.f32 v10, v12;
	v12 =	vadd.f32 v43, v13;
	v13 =	vld.idx.msk [tilespmem:v22+s1+$0x0], $0xffff  }
0xa2: {  	v60 =	vor.u32 $0x2000, v4;
	v28 =	vadd.f32 v31, v28;
	v17 =	vld.idx.msk [tilespmem:v59+s11+$0x0], $0xffff;
	v59 =	vadd.f32 v42, v32  }
0xa3: {  	v63 =	vld.idx.msk [tilespmem:v0+s1+$0x0], $0xffff;
	v0 =	vadd.f32 v11, v10;
	v10 =	vadd.f32 v24, v12  }
0xa4: {  	v33 =	vld.idx.msk [tilespmem:v62+s1+$0x0], $0xffff;
	v61 =	vadd.f32 v44, v28;
	v62 =	vadd.f32 v45, v59  }
0xa5: {  	v14 =	vld.idx.msk [tilespmem:v14+s11+$0x0], $0xffff;
	v0 =	vadd.f32 v9, v0;
	v9 =	vadd.f32 v23, v10  }
0xa6: {  	v20 =	vld.idx.msk [tilespmem:v20+s1+$0x0], $0xffff;
	v12 =	vadd.f32 v26, v61;
	v36 =	vadd.f32 v46, v62  }
0xa7: {  	v10 =	vor.u32 $0x2080, v3;
	v38 =	vld.idx.msk [tilespmem:v60+s11+$0x0], $0xffff;
	v0 =	vadd.f32 v8, v0;
	v8 =	vadd.f32 v48, v9  }
0xa8: {  	v22 =	vadd.f32 v47, v36;
	v61 =	vld.idx.msk [tilespmem:v15+s1+$0x0], $0xffff  }
0xa9: {  	v12 =	vadd.f32 v25, v12;
	v8 =	vadd.f32 v51, v8;
	v15 =	vld [tilespmem:$0x1FFF0]  }
0xaa: {  	v9 =	vld.idx.msk [tilespmem:v19+s1+$0x0], $0xffff;
	v56 =	vor.u32 $0x2000, v2;
	v46 =	vadd.f32 v50, v22;
	v50 =	vadd.f32 v1, v0  }
0xab: {  	v12 =	vadd.f32 v49, v12;
	v62 =	vld.idx.msk [tilespmem:v30+s1+$0x0], $0xffff  }
0xac: {  	v1 =	vld.idx.msk [tilespmem:v10+s11+$0x0], $0xffff;
	v10 =	vadd.f32 v54, v8;
	v7 =	vadd.f32 v7, v50  }
0xad: {  	v37 =	vor.u32 $0x2080, v2;
	v12 =	vadd.f32 v52, v12;
	v48 =	vld.idx.msk [tilespmem:v14+s1+$0x0], $0xffff;
	v19 =	vadd.f32 v53, v46  }
0xae: {  	v45 =	vld.idx.msk [tilespmem:v27+s1+$0x0], $0xffff;
	v10 =	vadd.f32 v57, v10;
	v7 =	vadd.f32 v15, v7  }
0xaf: {  	v12 =	vadd.f32 v21, v12;
	v11 =	vld.idx.msk [tilespmem:v56+s11+$0x0], $0xffff;
	v56 =	vor.u32 $0x2100, v2;
	v19 =	vadd.f32 v55, v19  }
0xb0: {  	v59 =	vor.u32 $0x2100, v3;
	v49 =	vld.idx.msk [tilespmem:v38+s1+$0x0], $0xffff;
	v10 =	vadd.f32 v35, v10;
	v6 =	vadd.f32 v6, v7  }
0xb1: {  	v44 =	vor.u32 $0x2080, v4;
	v47 =	vld.idx.msk [tilespmem:v29+s1+$0x0], $0xffff;
	v12 =	vadd.f32 v18, v12;
	v15 =	vadd.f32 v58, v19  }
0xb2: {  	v0 =	vld.idx.msk [tilespmem:v37+s11+$0x0], $0xffff;
	v2 =	vor.u32 $0x2180, v2;
	v5 =	vadd.f32 v5, v6;
	v6 =	vadd.f32 v20, v10  }
0xb3: {  	v17 =	vld.idx.msk [tilespmem:v17+s1+$0x0], $0xffff;
	v16 =	vadd.f32 v16, v12  }
0xb4: {  	v60 =	vor.u32 $0x2100, v4;
	v7 =	vld.idx.msk [tilespmem:v56+s11+$0x0], $0xffff;
	v15 =	vadd.f32 v33, v15;
	v6 =	vadd.f32 v45, v6  }
0xb5: {  	v12 =	vld.idx.msk [tilespmem:v59+s11+$0x0], $0xffff;
	v13 =	vadd.f32 v13, v16;
	v10 =	vor.u32 $0x2180, v3  }
0xb6: {  	v8 =	vld.idx.msk [tilespmem:v44+s11+$0x0], $0xffff;
	v63 =	vadd.f32 v63, v15;
	v51 =	vadd.f32 v61, v6;
	v6 =	vor.u32 $0x2180, v4  }
0xb7: {  	v9 =	vadd.f32 v9, v13;
	v13 =	vld.idx.msk [tilespmem:v2+s11+$0x0], $0xffff  }
0xb8: {  	v40 =	vld.idx.msk [tilespmem:v11+s1+$0x0], $0xffff;
	v11 =	vadd.f32 v47, v63;
	v5 =	vmul.f32 $5.000000070e-02, v5  }
0xb9: {  	s16 =	simm.s32 $0x1B720;
	v3 =	vld.idx.msk [tilespmem:v60+s11+$0x0], $0xffff  }
0xba: {  	s18 =	simm.s32 $0x40;
	s17 =	simm.s32 $0x0;
	v55 =	vadd.f32 v17, v9;
	[tilespmem:s16+$0x10] =	vst v5;
	v53 =	vadd.f32 v62, v11;
	v14 =	vld.idx.msk [tilespmem:v10+s11+$0x0], $0xffff  }
.LBB2_2:
0xbb: {  	v9 =	vlaneseq.u32;
	v16 =	vld.idx.msk [tilespmem:v6+s11+$0x0], $0xffff  }
0xbc: {  	v2 =	vmov s18;
	s19 =	sadd.s32 $0x10, s18;
	s20 =	sadd.s32 $0x30, s18;
	v11 =	vld.idx.msk [tilespmem:v7+s1+$0x0], $0xffff;
	v4 =	vor.u32 s18, v9  }
0xbd: {  	v10 =	vld.idx.msk [tilespmem:v12+s1+$0x0], $0xffff;
	v17 =	vshll.u32 v2, $0x3;
	v2 =	vmov s19;
	v5 =	vmov s20  }
0xbe: {  	v6 =	vor.u32 s20, v9;
	v18 =	vshll.u32 v5, $0x3;
	v19 =	vshll.u32 v2, $0x3;
	v39 =	vld.idx.msk [tilespmem:v0+s1+$0x0], $0xffff  }
0xbf: {  	s21 =	sadd.s32 $0x20, s18;
	v20 =	vand.u32 $0x7F, v6;
	v6 =	vor.u32 s19, v9;
	v29 =	vld.idx.msk [tilespmem:v1+s1+$0x0], $0xffff;
	v1 =	vand.u32 $0xC00, v18  }
0xc0: {  	v23 =	vand.u32 $0x5F, v6;
	v0 =	vmov s21;
	v30 =	vld.idx.msk [tilespmem:v8+s1+$0x0], $0xffff;
	v2 =	vor.u32 v20, v1  }
0xc1: {  	v8 =	vld.idx.msk [tilespmem:v13+s1+$0x0], $0xffff;
	v21 =	vshll.u32 v0, $0x3;
	v0 =	vand.u32 $0xC00, v19;
	v24 =	vor.u32 $0x80, v2  }
0xc2: {  	v12 =	vand.u32 $0xC00, v17;
	v25 =	vand.u32 $0x4F, v4;
	v7 =	vld.idx.msk [tilespmem:v14+s1+$0x0], $0xffff;
	v6 =	vor.u32 v23, v0  }
0xc3: {  	v1 =	vor.u32 s21, v9;
	v9 =	vld.idx.msk [tilespmem:v3+s1+$0x0], $0xffff;
	v0 =	vor.u32 v25, v12;
	v12 =	vor.u32 $0x100, v2  }
0xc4: {  	v27 =	vor.u32 $0x180, v2;
	v5 =	vld.idx.msk [tilespmem:v16+s1+$0x0], $0xffff  }
0xc5: {  	v31 =	vor.u32 $0x200, v2;
	v37 =	vld.idx.msk [tilespmem:v2+s11+$0x0], $0xffff  }
0xc6: {  	v33 =	vor.u32 $0x280, v2;
	v38 =	vld.idx.msk [tilespmem:v24+s11+$0x0], $0xffff  }
0xc7: {  	v22 =	vand.u32 $0xC00, v21;
	v26 =	vand.u32 $0x6F, v1;
	v34 =	vor.u32 $0x300, v2;
	v63 =	vld.idx.msk [tilespmem:v6+s11+$0x0], $0xffff  }
0xc8: {  	v15 =	vor.u32 v17, v25;
	v47 =	vor.u32 v26, v22;
	v32 =	vld.idx.msk [tilespmem:v12+s11+$0x0], $0xffff  }
0xc9: {  	v54 =	vor.u32 $0x200, v15;
	v44 =	vor.u32 $0x280, v15;
	v3 =	vor.u32 $0x300, v15;
	v1 =	vld.idx.msk [tilespmem:v27+s11+$0x0], $0xffff  }
0xca: {  	v18 =	vor.u32 v20, v18;
	v19 =	vor.u32 v23, v19;
	[tilespmem:$0x1FE60] =	vst v3;
	v4 =	vor.u32 $0x1080, v6;
	v3 =	vld.idx.msk [tilespmem:v31+s11+$0x0], $0xffff  }
0xcb: {  	v40 =	vadd.f32 v40, v51;
	v42 =	vor.u32 $0x380, v19;
	[tilespmem:$0x1FE70] =	vst v4;
	v4 =	vor.u32 $0x1080, v47;
	v19 =	vld.idx.msk [tilespmem:v33+s11+$0x0], $0xffff  }
0xcc: {  	v23 =	vor.u32 $0x380, v15;
	v51 =	vor.u32 $0x2100, v2;
	[tilespmem:$0x1FE80] =	vst v4;
	v4 =	vor.u32 $0x1100, v6;
	v28 =	vld.idx.msk [tilespmem:v34+s11+$0x0], $0xffff  }
0xcd: {  	v60 =	vor.u32 $0x80, v0;
	v13 =	vor.u32 $0x80, v6;
	[tilespmem:$0x1FE90] =	vst v4;
	v4 =	vor.u32 $0x1100, v0;
	v12 =	vld.idx.msk [tilespmem:v47+s11+$0x0], $0xffff  }
0xce: {  	v62 =	vor.u32 $0x100, v6;
	[tilespmem:$0x1FEA0] =	vst v4;
	v4 =	vor.u32 $0x1180, v6;
	v36 =	vld.idx.msk [tilespmem:v37+s1+$0x0], $0xffff;
	v37 =	vor.u32 $0x380, v18  }
0xcf: {  	v57 =	vor.u32 $0x180, v6;
	v39 =	vadd.f32 v39, v40;
	[tilespmem:$0x1FEB0] =	vst v4;
	v4 =	vor.u32 $0x1200, v6;
	v20 =	vld.idx.msk [tilespmem:v38+s1+$0x0], $0xffff  }
0xd0: {  	v52 =	vor.u32 $0x200, v6;
	[tilespmem:$0x1FEC0] =	vst v4;
	v4 =	vor.u32 $0x1200, v47;
	v38 =	vor.u32 $0x1000, v2;
	v31 =	vld.idx.msk [tilespmem:v32+s1+$0x0], $0xffff  }
0xd1: {  	v45 =	vor.u32 $0x280, v6;
	v11 =	vadd.f32 v11, v39;
	[tilespmem:$0x1FED0] =	vst v4;
	v4 =	vor.u32 $0x1280, v15;
	v1 =	vld.idx.msk [tilespmem:v1+s1+$0x0], $0xffff  }
0xd2: {  	v35 =	vor.u32 v26, v21;
	[tilespmem:$0x1FEF0] =	vst v4;
	v4 =	vor.u32 $0x1280, v47;
	v32 =	vor.u32 $0x1080, v2;
	v3 =	vld.idx.msk [tilespmem:v3+s1+$0x0], $0xffff  }
0xd3: {  	v8 =	vadd.f32 v8, v11;
	[tilespmem:$0x1FEE0] =	vst v4;
	v4 =	vor.u32 $0x1300, v6;
	v33 =	vld.idx.msk [tilespmem:v37+s11+$0x0], $0xffff;
	v34 =	vadd.f32 $0.0e+00, v36  }
0xd4: {  	v41 =	vor.u32 $0x300, v6;
	[tilespmem:$0x1FF00] =	vst v4;
	v18 =	vor.u32 $0x380, v35;
	v35 =	vor.u32 $0x1100, v2;
	v4 =	vld.idx.msk [tilespmem:v19+s1+$0x0], $0xffff  }
0xd5: {  	v8 =	vmul.f32 $5.000000070e-02, v8;
	v36 =	vld.idx.msk [tilespmem:v38+s11+$0x0], $0xffff;
	v38 =	vor.u32 $0x1200, v2;
	v34 =	vadd.f32 v20, v34  }
0xd6: {  	v25 =	vor.u32 $0x1000, v6;
	v14 =	vor.u32 $0x80, v47;
	v59 =	vor.u32 $0x100, v47;
	v28 =	vld.idx.msk [tilespmem:v28+s1+$0x0], $0xffff  }
0xd7: {  	[tilespmem:s16+$0xFFFFFFF0] =	vst v8;
	v37 =	vor.u32 $0x1180, v2;
	v32 =	vld.idx.msk [tilespmem:v32+s11+$0x0], $0xffff;
	v34 =	vadd.f32 v31, v34;
	v31 =	vor.u32 $0x1300, v15  }
0xd8: {  	v58 =	vor.u32 $0x180, v47;
	v50 =	vor.u32 $0x200, v47;
	v11 =	vld.idx.msk [tilespmem:v63+s1+$0x0], $0xffff;
	[tilespmem:$0x1FF10] =	vst v31;
	v31 =	vor.u32 $0x1380, v6  }
0xd9: {  	v35 =	vld.idx.msk [tilespmem:v35+s11+$0x0], $0xffff;
	[tilespmem:$0x1FF20] =	vst v31;
	v31 =	vor.u32 $0x1380, v47;
	v1 =	vadd.f32 v1, v34;
	v34 =	vor.u32 $0x1280, v2  }
0xda: {  	v24 =	vor.u32 $0x1200, v15;
	v38 =	vld.idx.msk [tilespmem:v38+s11+$0x0], $0xffff;
	[tilespmem:$0x1FF30] =	vst v31;
	v31 =	vor.u32 $0x1380, v15;
	v15 =	vor.u32 $0x2000, v6  }
0xdb: {  	[tilespmem:$0x1FF40] =	vst v15;
	v15 =	vor.u32 $0x2000, v47;
	v1 =	vadd.f32 v3, v1;
	v3 =	vld.idx.msk [tilespmem:v33+s1+$0x0], $0xffff;
	v33 =	vor.u32 $0x1300, v2  }
0xdc: {  	v46 =	vor.u32 $0x280, v47;
	v43 =	vor.u32 $0x300, v47;
	v37 =	vld.idx.msk [tilespmem:v37+s11+$0x0], $0xffff;
	[tilespmem:$0x1FF50] =	vst v15;
	v15 =	vor.u32 $0x2000, v0  }
0xdd: {  	[tilespmem:$0x1FF60] =	vst v15;
	v15 =	vor.u32 $0x2080, v0;
	v1 =	vadd.f32 v4, v1;
	v4 =	vld.idx.msk [tilespmem:v36+s1+$0x0], $0xffff;
	v36 =	vor.u32 $0x1380, v2  }
0xde: {  	v26 =	vor.u32 $0x1000, v47;
	v17 =	vor.u32 $0x1100, v47;
	[tilespmem:$0x1FF90] =	vst v15;
	v15 =	vor.u32 $0x2080, v6;
	v34 =	vld.idx.msk [tilespmem:v34+s11+$0x0], $0xffff  }
0xdf: {  	v22 =	vor.u32 $0x1180, v47;
	[tilespmem:$0x1FF70] =	vst v15;
	v15 =	vor.u32 $0x2080, v47;
	v1 =	vadd.f32 v28, v1;
	v28 =	vld.idx.msk [tilespmem:v32+s1+$0x0], $0xffff  }
0xe0: {  	v19 =	vor.u32 $0x1300, v47;
	v20 =	vor.u32 $0x1280, v6;
	[tilespmem:$0x1FF80] =	vst v15;
	v15 =	vor.u32 $0x2100, v6;
	v33 =	vld.idx.msk [tilespmem:v33+s11+$0x0], $0xffff  }
0xe1: {  	v32 =	vor.u32 $0x2000, v2;
	v6 =	vor.u32 $0x2180, v6;
	[tilespmem:$0x1FFA0] =	vst v15;
	v1 =	vadd.f32 v3, v1;
	v3 =	vld.idx.msk [tilespmem:v35+s1+$0x0], $0xffff  }
0xe2: {  	v15 =	vor.u32 $0x2100, v0;
	[tilespmem:$0x1FFD0] =	vst v6;
	v6 =	vor.u32 $0x2100, v47;
	v35 =	vor.u32 $0x2080, v2;
	v36 =	vld.idx.msk [tilespmem:v36+s11+$0x0], $0xffff  }
0xe3: {  	[tilespmem:$0x1FFB0] =	vst v6;
	v6 =	vor.u32 $0x2180, v47;
	v47 =	vadd.f32 v48, v55;
	v55 =	vadd.f32 v49, v53;
	v53 =	vld.idx.msk [tilespmem:v38+s1+$0x0], $0xffff  }
0xe4: {  	v61 =	vor.u32 $0x100, v0;
	v56 =	vor.u32 $0x180, v0;
	v2 =	vor.u32 $0x2180, v2;
	[tilespmem:$0x1FFC0] =	vst v15;
	v15 =	vld [tilespmem:$0x1FEA0]  }
0xe5: {  	v21 =	vor.u32 $0x1180, v0;
	v16 =	vor.u32 $0x1000, v0;
	v1 =	vadd.f32 v4, v1;
	v4 =	vld.idx.msk [tilespmem:v37+s1+$0x0], $0xffff  }
0xe6: {  	v27 =	vor.u32 $0x1080, v0;
	[tilespmem:$0x1FFE0] =	vst v6;
	v6 =	vor.u32 $0x2180, v0;
	v0 =	vld.idx.msk [tilespmem:v0+s11+$0x0], $0xffff;
	v30 =	vadd.f32 v30, v55  }
0xe7: {  	v29 =	vadd.f32 v29, v47;
	v32 =	vld.idx.msk [tilespmem:v32+s11+$0x0], $0xffff;
	v1 =	vadd.f32 v28, v1  }
0xe8: {  	v9 =	vadd.f32 v9, v30;
	v55 =	vld.idx.msk [tilespmem:v35+s11+$0x0], $0xffff  }
0xe9: {  	v10 =	vadd.f32 v10, v29;
	v2 =	vld.idx.msk [tilespmem:v2+s11+$0x0], $0xffff;
	v1 =	vadd.f32 v3, v1  }
0xea: {  	v3 =	vld.idx.msk [tilespmem:v34+s1+$0x0], $0xffff;
	v5 =	vadd.f32 v5, v9  }
0xeb: {  	v7 =	vadd.f32 v7, v10;
	v9 =	vld.idx.msk [tilespmem:v51+s11+$0x0], $0xffff;
	v1 =	vadd.f32 v4, v1  }
0xec: {  	v4 =	vld.idx.msk [tilespmem:v33+s1+$0x0], $0xffff;
	v5 =	vmul.f32 $5.000000070e-02, v5  }
0xed: {  	v7 =	vmul.f32 $5.000000070e-02, v7;
	v8 =	vld.idx.msk [tilespmem:v36+s1+$0x0], $0xffff;
	v1 =	vadd.f32 v53, v1  }
0xee: {  	[tilespmem:s16+$0xFFFFFFE0] =	vst v5;
	v5 =	vld.idx.msk [tilespmem:v13+s11+$0x0], $0xffff  }
0xef: {  	[tilespmem:s16+$0x0] =	vst v7;
	v1 =	vadd.f32 v3, v1;
	v3 =	vld.idx.msk [tilespmem:v32+s1+$0x0], $0xffff  }
0xf0: {  	v7 =	vld.idx.msk [tilespmem:v14+s11+$0x0], $0xffff  }
0xf1: {  	v10 =	vld.idx.msk [tilespmem:v59+s11+$0x0], $0xffff  }
0xf2: {  	v0 =	vld.idx.msk [tilespmem:v0+s1+$0x0], $0xffff  }
0xf3: {  	v13 =	vld.idx.msk [tilespmem:v56+s11+$0x0], $0xffff  }
0xf4: {  	v14 =	vld.idx.msk [tilespmem:v50+s11+$0x0], $0xffff  }
0xf5: {  	v59 =	vld.idx.msk [tilespmem:v54+s11+$0x0], $0xffff  }
0xf6: {  	v2 =	vld.idx.msk [tilespmem:v2+s1+$0x0], $0xffff;
	v1 =	vadd.f32 v4, v1  }
0xf7: {  	v4 =	vld.idx.msk [tilespmem:v55+s1+$0x0], $0xffff  }
0xf8: {  	v1 =	vadd.f32 v8, v1;
	v8 =	vld.idx.msk [tilespmem:v9+s1+$0x0], $0xffff  }
0xf9: {  	v9 =	vld.idx.msk [tilespmem:v60+s11+$0x0], $0xffff  }
0xfa: {  	v60 =	vld.idx.msk [tilespmem:v23+s11+$0x0], $0xffff  }
0xfb: {  	v1 =	vadd.f32 v3, v1;
	v3 =	vld.idx.msk [tilespmem:v62+s11+$0x0], $0xffff  }
0xfc: {  	v5 =	vld.idx.msk [tilespmem:v5+s1+$0x0], $0xffff  }
0xfd: {  	v1 =	vadd.f32 v4, v1;
	v4 =	vld.idx.msk [tilespmem:v61+s11+$0x0], $0xffff  }
0xfe: {  	v7 =	vld.idx.msk [tilespmem:v7+s1+$0x0], $0xffff  }
0xff: {  	v61 =	vld.idx.msk [tilespmem:v15+s11+$0x0], $0xffff  }
0x100: {  	v15 =	vld [tilespmem:$0x1FEF0];
	v1 =	vadd.f32 v8, v1  }
0x101: {  	v8 =	vld.idx.msk [tilespmem:v12+s1+$0x0], $0xffff  }
0x102: {  	v11 =	vadd.f32 $0.0e+00, v11;
	v12 =	vld.idx.msk [tilespmem:v58+s11+$0x0], $0xffff;
	v1 =	vadd.f32 v2, v1  }
0x103: {  	v2 =	vld.idx.msk [tilespmem:v57+s11+$0x0], $0xffff  }
0x104: {  	v5 =	vadd.f32 v5, v11;
	v11 =	vld.idx.msk [tilespmem:v44+s11+$0x0], $0xffff;
	v1 =	vmul.f32 $5.000000070e-02, v1  }
0x105: {  	s16 =	sadd.s32 $0x40, s16;
	v3 =	vld.idx.msk [tilespmem:v3+s1+$0x0], $0xffff  }
0x106: {  	[tilespmem:s16+$0x10] =	vst v1;
	v1 =	vadd.f32 $0.0e+00, v8;
	v8 =	vld.idx.msk [tilespmem:v9+s1+$0x0], $0xffff  }
0x107: {  	v9 =	vld.idx.msk [tilespmem:v52+s11+$0x0], $0xffff  }
0x108: {  	v4 =	vld.idx.msk [tilespmem:v4+s1+$0x0], $0xffff  }
0x109: {  	v62 =	vld.idx.msk [tilespmem:v15+s11+$0x0], $0xffff  }
0x10a: {  	v15 =	vld [tilespmem:$0x1FF60]  }
0x10b: {  	v1 =	vadd.f32 v7, v1;
	v7 =	vld.idx.msk [tilespmem:v10+s1+$0x0], $0xffff  }
0x10c: {  	v10 =	vld.idx.msk [tilespmem:v46+s11+$0x0], $0xffff  }
0x10d: {  	v0 =	vadd.f32 $0.0e+00, v0;
	v3 =	vadd.f32 v3, v5;
	v5 =	vld.idx.msk [tilespmem:v12+s1+$0x0], $0xffff  }
0x10e: {  	v12 =	vld.idx.msk [tilespmem:v43+s11+$0x0], $0xffff  }
0x10f: {  	v2 =	vld.idx.msk [tilespmem:v2+s1+$0x0], $0xffff;
	v0 =	vadd.f32 v8, v0  }
0x110: {  	v8 =	vld.idx.msk [tilespmem:v45+s11+$0x0], $0xffff  }
0x111: {  	v0 =	vadd.f32 v4, v0;
	v4 =	vld.idx.msk [tilespmem:v13+s1+$0x0], $0xffff  }
0x112: {  	v1 =	vadd.f32 v7, v1;
	v7 =	vld.idx.msk [tilespmem:v41+s11+$0x0], $0xffff  }
0x113: {  	v13 =	vld [tilespmem:$0x1FE60]  }
0x114: {  	v15 =	vld.idx.msk [tilespmem:v15+s11+$0x0], $0xffff  }
0x115: {  	v2 =	vadd.f32 v2, v3;
	v3 =	vld.idx.msk [tilespmem:v9+s1+$0x0], $0xffff  }
0x116: {  	v1 =	vadd.f32 v5, v1;
	v5 =	vld.idx.msk [tilespmem:v14+s1+$0x0], $0xffff  }
0x117: {  	v9 =	vld.idx.msk [tilespmem:v42+s11+$0x0], $0xffff  }
0x118: {  	v14 =	vld.idx.msk [tilespmem:v18+s11+$0x0], $0xffff  }
0x119: {  	v0 =	vadd.f32 v4, v0;
	v4 =	vld.idx.msk [tilespmem:v59+s1+$0x0], $0xffff  }
0x11a: {  	v2 =	vadd.f32 v3, v2;
	v3 =	vld.idx.msk [tilespmem:v8+s1+$0x0], $0xffff  }
0x11b: {  	v1 =	vadd.f32 v5, v1;
	v5 =	vld.idx.msk [tilespmem:v10+s1+$0x0], $0xffff  }
0x11c: {  	v8 =	vld.idx.msk [tilespmem:v25+s11+$0x0], $0xffff  }
0x11d: {  	v13 =	vld.idx.msk [tilespmem:v13+s11+$0x0], $0xffff  }
0x11e: {  	v10 =	vld.idx.msk [tilespmem:v26+s11+$0x0], $0xffff  }
0x11f: {  	v0 =	vadd.f32 v4, v0;
	v4 =	vld.idx.msk [tilespmem:v11+s1+$0x0], $0xffff  }
0x120: {  	v11 =	vld.idx.msk [tilespmem:v16+s11+$0x0], $0xffff  }
0x121: {  	v2 =	vadd.f32 v3, v2;
	v3 =	vld.idx.msk [tilespmem:v7+s1+$0x0], $0xffff  }
0x122: {  	v1 =	vadd.f32 v5, v1;
	v5 =	vld.idx.msk [tilespmem:v12+s1+$0x0], $0xffff  }
0x123: {  	v7 =	vld [tilespmem:$0x1FE70]  }
0x124: {  	v12 =	vld [tilespmem:$0x1FE80]  }
0x125: {  	v0 =	vadd.f32 v4, v0;
	v4 =	vld.idx.msk [tilespmem:v13+s1+$0x0], $0xffff  }
0x126: {  	v13 =	vld.idx.msk [tilespmem:v27+s11+$0x0], $0xffff  }
0x127: {  	v2 =	vadd.f32 v3, v2;
	v3 =	vld.idx.msk [tilespmem:v9+s1+$0x0], $0xffff  }
0x128: {  	v1 =	vadd.f32 v5, v1;
	v5 =	vld.idx.msk [tilespmem:v14+s1+$0x0], $0xffff  }
0x129: {  	v9 =	vld [tilespmem:$0x1FE90]  }
0x12a: {  	v14 =	vld.idx.msk [tilespmem:v17+s11+$0x0], $0xffff  }
0x12b: {  	v7 =	vld.idx.msk [tilespmem:v7+s11+$0x0], $0xffff  }
0x12c: {  	v12 =	vld.idx.msk [tilespmem:v12+s11+$0x0], $0xffff  }
0x12d: {  	v0 =	vadd.f32 v4, v0;
	v4 =	vld.idx.msk [tilespmem:v60+s1+$0x0], $0xffff  }
0x12e: {  	v2 =	vadd.f32 v3, v2;
	v3 =	vld.idx.msk [tilespmem:v8+s1+$0x0], $0xffff  }
0x12f: {  	v1 =	vadd.f32 v5, v1;
	v5 =	vld.idx.msk [tilespmem:v10+s1+$0x0], $0xffff  }
0x130: {  	v8 =	vld [tilespmem:$0x1FEB0]  }
0x131: {  	v10 =	vld.idx.msk [tilespmem:v22+s11+$0x0], $0xffff  }
0x132: {  	v9 =	vld.idx.msk [tilespmem:v9+s11+$0x0], $0xffff  }
0x133: {  	v0 =	vadd.f32 v4, v0;
	v4 =	vld.idx.msk [tilespmem:v11+s1+$0x0], $0xffff  }
0x134: {  	v11 =	vld.idx.msk [tilespmem:v21+s11+$0x0], $0xffff  }
0x135: {  	v2 =	vadd.f32 v3, v2;
	v3 =	vld.idx.msk [tilespmem:v7+s1+$0x0], $0xffff  }
0x136: {  	v1 =	vadd.f32 v5, v1;
	v5 =	vld.idx.msk [tilespmem:v12+s1+$0x0], $0xffff  }
0x137: {  	v7 =	vld [tilespmem:$0x1FEC0]  }
0x138: {  	v12 =	vld [tilespmem:$0x1FED0]  }
0x139: {  	v8 =	vld.idx.msk [tilespmem:v8+s11+$0x0], $0xffff  }
0x13a: {  	v0 =	vadd.f32 v4, v0;
	v4 =	vld.idx.msk [tilespmem:v13+s1+$0x0], $0xffff  }
0x13b: {  	v13 =	vld.idx.msk [tilespmem:v24+s11+$0x0], $0xffff  }
0x13c: {  	v2 =	vadd.f32 v3, v2;
	v3 =	vld.idx.msk [tilespmem:v9+s1+$0x0], $0xffff  }
0x13d: {  	v1 =	vadd.f32 v5, v1;
	v5 =	vld.idx.msk [tilespmem:v14+s1+$0x0], $0xffff  }
0x13e: {  	v9 =	vld.idx.msk [tilespmem:v20+s11+$0x0], $0xffff  }
0x13f: {  	v14 =	vld [tilespmem:$0x1FEE0]  }
0x140: {  	v7 =	vld.idx.msk [tilespmem:v7+s11+$0x0], $0xffff  }
0x141: {  	v12 =	vld.idx.msk [tilespmem:v12+s11+$0x0], $0xffff  }
0x142: {  	v0 =	vadd.f32 v4, v0;
	v4 =	vld.idx.msk [tilespmem:v61+s1+$0x0], $0xffff  }
0x143: {  	v2 =	vadd.f32 v3, v2;
	v3 =	vld.idx.msk [tilespmem:v8+s1+$0x0], $0xffff  }
0x144: {  	v8 =	vld [tilespmem:$0x1FF00]  }
0x145: {  	v1 =	vadd.f32 v5, v1;
	v5 =	vld.idx.msk [tilespmem:v10+s1+$0x0], $0xffff  }
0x146: {  	v10 =	vld.idx.msk [tilespmem:v19+s11+$0x0], $0xffff  }
0x147: {  	v14 =	vld.idx.msk [tilespmem:v14+s11+$0x0], $0xffff  }
0x148: {  	v0 =	vadd.f32 v4, v0;
	v4 =	vld.idx.msk [tilespmem:v11+s1+$0x0], $0xffff  }
0x149: {  	v11 =	vld [tilespmem:$0x1FF10]  }
0x14a: {  	v2 =	vadd.f32 v3, v2;
	v3 =	vld.idx.msk [tilespmem:v7+s1+$0x0], $0xffff  }
0x14b: {  	v7 =	vld [tilespmem:$0x1FF20]  }
0x14c: {  	v8 =	vld.idx.msk [tilespmem:v8+s11+$0x0], $0xffff  }
0x14d: {  	v1 =	vadd.f32 v5, v1;
	v5 =	vld.idx.msk [tilespmem:v12+s1+$0x0], $0xffff  }
0x14e: {  	v12 =	vld [tilespmem:$0x1FF30]  }
0x14f: {  	v2 =	vadd.f32 v3, v2;
	v3 =	vld.idx.msk [tilespmem:v9+s1+$0x0], $0xffff  }
0x150: {  	v0 =	vadd.f32 v4, v0;
	v4 =	vld.idx.msk [tilespmem:v13+s1+$0x0], $0xffff  }
0x151: {  	v13 =	vld.idx.msk [tilespmem:v31+s11+$0x0], $0xffff  }
0x152: {  	v10 =	vld.idx.msk [tilespmem:v10+s1+$0x0], $0xffff  }
0x153: {  	v7 =	vld.idx.msk [tilespmem:v7+s11+$0x0], $0xffff  }
0x154: {  	v2 =	vadd.f32 v3, v2;
	v3 =	vld.idx.msk [tilespmem:v8+s1+$0x0], $0xffff  }
0x155: {  	v11 =	vld.idx.msk [tilespmem:v11+s11+$0x0], $0xffff  }
0x156: {  	v1 =	vadd.f32 v5, v1;
	v5 =	vld.idx.msk [tilespmem:v14+s1+$0x0], $0xffff  }
0x157: {  	v9 =	vld [tilespmem:$0x1FF40]  }
0x158: {  	v14 =	vld [tilespmem:$0x1FF50]  }
0x159: {  	v2 =	vadd.f32 v3, v2;
	v3 =	vld [tilespmem:$0x1FFA0]  }
0x15a: {  	v0 =	vadd.f32 v4, v0;
	v4 =	vld.idx.msk [tilespmem:v62+s1+$0x0], $0xffff  }
0x15b: {  	v63 =	vld.idx.msk [tilespmem:v7+s1+$0x0], $0xffff  }
0x15c: {  	v12 =	vld.idx.msk [tilespmem:v12+s11+$0x0], $0xffff  }
0x15d: {  	v5 =	vadd.f32 v5, v1;
	v1 =	vld [tilespmem:$0x1FF80]  }
0x15e: {  	v8 =	vld [tilespmem:$0x1FF90]  }
0x15f: {  	v11 =	vld.idx.msk [tilespmem:v11+s1+$0x0], $0xffff  }
0x160: {  	v51 =	vadd.f32 v63, v2;
	v2 =	vld [tilespmem:$0x1FFD0]  }
0x161: {  	v7 =	vld.idx.msk [tilespmem:v3+s11+$0x0], $0xffff  }
0x162: {  	v3 =	vld [tilespmem:$0x1FFB0]  }
0x163: {  	v4 =	vadd.f32 v4, v0;
	v0 =	vld [tilespmem:$0x1FF70]  }
0x164: {  	v9 =	vld.idx.msk [tilespmem:v9+s11+$0x0], $0xffff  }
0x165: {  	v14 =	vld.idx.msk [tilespmem:v14+s11+$0x0], $0xffff  }
0x166: {  	v5 =	vadd.f32 v10, v5;
	v10 =	vld.idx.msk [tilespmem:v12+s1+$0x0], $0xffff  }
0x167: {  	v4 =	vadd.f32 v11, v4;
	v11 =	vld.idx.msk [tilespmem:v13+s1+$0x0], $0xffff  }
0x168: {  	v13 =	vld.idx.msk [tilespmem:v2+s11+$0x0], $0xffff  }
0x169: {  	v2 =	vld [tilespmem:$0x1FFE0]  }
0x16a: {  	v12 =	vld.idx.msk [tilespmem:v3+s11+$0x0], $0xffff  }
0x16b: {  	v3 =	vld [tilespmem:$0x1FFC0]  }
0x16c: {  	v49 =	vld.idx.msk [tilespmem:v15+s1+$0x0], $0xffff  }
0x16d: {  	s17 =	sadd.s32 $0x4, s17;
	v1 =	vld.idx.msk [tilespmem:v1+s11+$0x0], $0xffff  }
0x16e: {  	p1 =	slt.u32 s17, $0x1C;
	v8 =	vld.idx.msk [tilespmem:v8+s11+$0x0], $0xffff  }
.Ltmp2:
0x16f: {  	v0 =	vld.idx.msk [tilespmem:v0+s11+$0x0], $0xffff;
	(pc) =	sbr.rel @p1 .LBB2_2-.Ltmp2, $4  }
0x170: {  	v40 =	vld.idx.msk [tilespmem:v9+s1+$0x0], $0xffff  }
0x171: {  	v48 =	vld.idx.msk [tilespmem:v14+s1+$0x0], $0xffff  }
0x172: {  	v14 =	vld.idx.msk [tilespmem:v2+s11+$0x0], $0xffff  }
0x173: {  	s18 =	sadd.s32 $0x40, s18;
	v55 =	vadd.f32 v10, v5;
	v53 =	vadd.f32 v11, v4;
	v3 =	vld.idx.msk [tilespmem:v3+s11+$0x0], $0xffff  }
0x174: {  	_ =	sdelay $0x3  }
0x175: {  	v2 =	vld.idx.msk [tilespmem:v6+s11+$0x0], $0xffff  }
0x176: {  	v0 =	vld.idx.msk [tilespmem:v0+s1+$0x0], $0xffff  }
0x177: {  	v1 =	vld.idx.msk [tilespmem:v1+s1+$0x0], $0xffff  }
0x178: {  	v4 =	vld.idx.msk [tilespmem:v8+s1+$0x0], $0xffff  }
0x179: {  	v5 =	vld.idx.msk [tilespmem:v7+s1+$0x0], $0xffff  }
0x17a: {  	v61 =	vld.idx.msk [tilespmem:v12+s1+$0x0], $0xffff  }
0x17b: {  	v63 =	vld.idx.msk [tilespmem:v13+s1+$0x0], $0xffff;
	v62 =	vadd.f32 v40, v51  }
0x17c: {  	v9 =	vadd.f32 v48, v55;
	v3 =	vld.idx.msk [tilespmem:v3+s1+$0x0], $0xffff  }
0x17d: {  	v11 =	vadd.f32 v49, v53;
	v10 =	vld.idx.msk [tilespmem:v14+s1+$0x0], $0xffff;
	v0 =	vadd.f32 v0, v62  }
0x17e: {  	v1 =	vadd.f32 v1, v9;
	v2 =	vld.idx.msk [tilespmem:v2+s1+$0x0], $0xffff  }
0x17f: {  	v4 =	vadd.f32 v4, v11;
	v0 =	vadd.f32 v5, v0  }
0x180: {  	v1 =	vadd.f32 v61, v1  }
0x181: {  	v3 =	vadd.f32 v3, v4;
	v0 =	vadd.f32 v63, v0  }
0x182: {  	v1 =	vadd.f32 v10, v1  }
0x183: {  	v0 =	vmul.f32 $5.000000070e-02, v0;
	v2 =	vadd.f32 v2, v3  }
0x184: {  	v1 =	vmul.f32 $5.000000070e-02, v1  }
0x185: {  	[tilespmem:s16+$0xFFFFFFF0] =	vst v0;
	v2 =	vmul.f32 $5.000000070e-02, v2  }
0x186: {  	[tilespmem:s16+$0x0] =	vst v1  }
.Ltmp3:
0x187: {  	[tilespmem:s16+$0xFFFFFFE0] =	vst v2;
	(pc) =	sbr.rel @p0 .LBB2_7-.Ltmp3, $4  }
0x188: {  	[hbm4b:s4+s1] =	stream.linear.scatter [tilespmem:s13], [sflag:$0x2], $0x200, $0x38;
	[tilespmem:$0x1B900] =	vst v63  }
0x189: {  	_ =	swait.ge [sflag:s14], $0x200  }
0x18a: {  	[sflag:s14] =	ssyncset.done $0x0  }
0x18b: {  	v30 =	vlaneseq.u32;
	v0 =	vimm.f32 $1.000000000e+00;
	[sflag:s14] =	ssyncadd.s32 $0xFFFFFE00  }
0x18c: {  	s16 =	simm.s32 $0x1B720  }
0x18d: {  	[tilespmem:s16+$0xFFFFFFE0] =	vst v0  }
0x18e: {  	[tilespmem:s16+$0x10] =	vst v0  }
0x18f: {  	s17 =	simm.s32 $0x0;
	[tilespmem:s16+$0x0] =	vst v0  }
.LBB2_5:
0x190: {  	s17 =	sadd.s32 $0x4, s17  }
0x191: {  	[tilespmem:s16+$0xFFFFFFF0] =	vst v0;
	s16 =	sadd.s32 $0x40, s16;
	p1 =	slt.u32 s17, $0x1C  }
.Ltmp4:
0x192: {  	[tilespmem:s16+$0xFFFFFFE0] =	vst v0;
	(pc) =	sbr.rel @p1 .LBB2_5-.Ltmp4, $3  }
0x193: {  	_ =	sdelay $0x1  }
0x194: {  	[tilespmem:s16+$0x10] =	vst v0  }
0x195: {  	[tilespmem:s16+$0x0] =	vst v0  }
.Ltmp5:
0x196: {  	_ = 	snop;
	(pc) =	sbr.rel .LBB2_6-.Ltmp5, $1  }
0x197: {  	_ =	sdelay $0x3  }
.LBB2_8:
0x198: {  	_ =	sfence.sel $0x180000  }
0x199: {  	[bflag:$0x0] =	sbarrier.arrive $0xFFFF  }
0x19a: {  	_ =	strace $0x90000047  }
0x19b: {  	s0 =	sadd.s32 @!p0 $0x100000, s0;
	[bflag:$0x2] =	sbarrier.arrive $0xFFFF  }
0x19c: {  	[sflag:s0] =	ssyncadd.tile.s32 @!p0 $0x1;
	_ =	shalt  }
.Lfunc_end2:
_tile_overlayer_lowered:
.L_overlay_start_2:
0x19d: {  	(tag) =	ssettag $0x2  }
0x19e: {  	s0 =	rddreg [dreg:$0x0];
	s2 =	stileid.u32  }
0x19f: {  	s1 =	rddreg [dreg:$0x1];
	p0 =	sne.s32 s2, $0x0  }
0x1a0: {  	s3 =	rddreg [dreg:$0x2];
	[bflag:$0x3] =	sbarrier.arrive $0xFFFF;
	s2 =	simm.s32 @!p0 $0x1C02  }
0x1a1: {  	[timem:s3], [sflag:s2] =	dma.local @!p0 [hbm:s0], s1  }
0x1a2: {  	s0 =	simm.s32 @!p0 $0x2  }
0x1a3: {  	_ =	swait.ge @!p0 [sflag:s0], s1  }
0x1a4: {  	s1 =	ssub.s32 @!p0 $0x0, s1;
	[sflag:s0] =	ssyncset.done @!p0 $0x0  }
0x1a5: {  	[sflag:s0] =	ssyncadd.s32 @!p0 s1  }
0x1a6: {  	[bflag:$0x3] =	sbarrier.arrive $0xFFFF  }
0x1a7: {  	_ =	shalt  }

</sc_bundles>
